<compile_context>
chip_gen: v7x
topology: tpu7x:2x2x1
jax: 0.10.2.dev20260603
libtpu: 0.0.44.dev20260713+nightly
codegen_flags: <defaults>
</compile_context>

<pallas_src>
import functools

import jax
import jax.numpy as jnp
from jax import lax
from jax.experimental import pallas as pl
from jax.experimental.pallas import tpu as pltpu
from jax.experimental.pallas import tpu_sc as plsc

EMBED = 64
VOCAB = 1024
LANES = 16
CHUNK = 128
TOK_PER_STEP = 256
IDX_PER_STEP = 4 * TOK_PER_STEP
N_CHUNKS = IDX_PER_STEP // CHUNK
MLP_ROWS = 8192


def _tc_fold(table, W1):

    def body(t_ref, w1_ref, out_ref):
        out_ref[...] = jnp.dot(t_ref[...], w1_ref[...],
                               preferred_element_type=jnp.float32,
                               precision=lax.Precision.HIGHEST
                               ).astype(jnp.bfloat16)

    return pl.pallas_call(
        body,
        grid=(4,),
        in_specs=[
            pl.BlockSpec((VOCAB, EMBED), lambda c: (0, 0)),
            pl.BlockSpec((EMBED, EMBED), lambda c: (c, 0)),
        ],
        out_specs=pl.BlockSpec((VOCAB, EMBED), lambda c: (c, 0)),
        out_shape=jax.ShapeDtypeStruct((4 * VOCAB, EMBED), jnp.bfloat16),
    )(table, W1)


def _sc_gather_sum(tcat, idx):
    n_rows = idx.shape[0]
    n_tok = n_rows * TOK_PER_STEP
    mesh = plsc.VectorSubcoreMesh(core_axis_name="c", subcore_axis_name="s")

    @functools.partial(
        pl.kernel,
        out_type=jax.ShapeDtypeStruct((n_tok, EMBED), jnp.bfloat16),
        mesh=mesh,
        scratch_types=[
            pltpu.VMEM((N_CHUNKS, CHUNK), jnp.int32),
            pltpu.VMEM((2, CHUNK), jnp.int32),
            pltpu.VMEM((IDX_PER_STEP, EMBED), jnp.bfloat16),
            pltpu.VMEM((TOK_PER_STEP, EMBED), jnp.bfloat16),
            pltpu.VMEM_SHARED((16 * TOK_PER_STEP, EMBED), jnp.bfloat16),
            pltpu.SemaphoreType.DMA,
        ],
        compiler_params=pltpu.CompilerParams(use_tc_tiling_on_sc=False),
    )
    def gather_kernel(tcat_hbm, idx_hbm, out_hbm, gidx, tokidx, rows, zeros,
                      acc_shared, sem):
        sid = lax.axis_index("s")
        acc_base = sid * TOK_PER_STEP

        @pl.loop(0, TOK_PER_STEP)
        def _(r):
            @pl.loop(0, EMBED // (2 * LANES))
            def _(k):
                zeros[pl.ds(r, 1), pl.ds(k * 2 * LANES, 2 * LANES)] = (
                    jnp.zeros((1, 2 * LANES), jnp.bfloat16))

        for h in range(2):
            @pl.loop(0, CHUNK // LANES)
            def _(k, h=h):
                tid = lax.iota(jnp.int32, LANES) + (h * CHUNK + k * LANES + acc_base)
                tokidx[pl.ds(h, 1), pl.ds(k * LANES, LANES)] = (
                    tid.reshape(1, LANES))

        def body(i_vmem, o_vmem):
            for q in range(N_CHUNKS):
                @pl.loop(0, CHUNK // LANES)
                def _(k, q=q):
                    raw = i_vmem[pl.ds(0, 1), pl.ds(q * CHUNK + k * LANES, LANES)]
                    gidx[pl.ds(q, 1), pl.ds(k * LANES, LANES)] = (
                        raw + ((q % 4) << 10))

            gathers = [
                pltpu.async_copy(tcat_hbm.at[gidx.at[q]],
                                 rows.at[pl.ds(q * CHUNK, CHUNK)], sem)
                for q in range(N_CHUNKS)
            ]
            pltpu.sync_copy(zeros, acc_shared.at[pl.ds(acc_base, TOK_PER_STEP)])
            for cp in gathers:
                cp.wait()
            adds = [
                pltpu.async_copy(rows.at[pl.ds(q * CHUNK, CHUNK)],
                                 acc_shared.at[tokidx.at[q // 4]], sem, add=True)
                for q in range(N_CHUNKS)
            ]
            for cp in adds:
                cp.wait()
            pltpu.sync_copy(acc_shared.at[pl.ds(acc_base, TOK_PER_STEP)], o_vmem)

        pltpu.emit_pipeline(
            body,
            grid=(n_rows,),
            in_specs=[pl.BlockSpec((1, IDX_PER_STEP), lambda i: (i, 0))],
            out_specs=[pl.BlockSpec((TOK_PER_STEP, EMBED), lambda i: (i, 0))],
            core_axis_name=("c", "s"),
            dimension_semantics=(pltpu.PARALLEL,),
        )(idx_hbm, out_hbm)

    return gather_kernel(tcat, idx)


def _tc_mlp_paired(h2, b1p, W2d, b2p):
    n2 = h2.shape[0]

    def body(h_ref, b1_ref, w2_ref, b2_ref, out_ref):
        h = h_ref[...].astype(jnp.float32) + b1_ref[...]
        h = h * jax.nn.sigmoid(h)
        out_ref[...] = jnp.dot(h, w2_ref[...],
                               preferred_element_type=jnp.float32) + b2_ref[...]

    return pl.pallas_call(
        body,
        grid=(n2 // MLP_ROWS,),
        in_specs=[
            pl.BlockSpec((MLP_ROWS, 2 * EMBED), lambda i: (i, 0)),
            pl.BlockSpec((1, 2 * EMBED), lambda i: (0, 0)),
            pl.BlockSpec((2 * EMBED, 2 * EMBED), lambda i: (0, 0)),
            pl.BlockSpec((1, 2 * EMBED), lambda i: (0, 0)),
        ],
        out_specs=pl.BlockSpec((MLP_ROWS, 2 * EMBED), lambda i: (i, 0)),
        out_shape=jax.ShapeDtypeStruct((n2, 2 * EMBED), jnp.float32),
    )(h2, b1p, W2d, b2p)


def kernel(x, table, W1, b1, W2, b2):
    bsz, seq, c = x.shape
    n = bsz * seq
    idx = (x.astype(jnp.int32)
           .reshape(bsz // CHUNK, CHUNK, seq, c)
           .transpose(2, 0, 3, 1)
           .reshape(seq * bsz // TOK_PER_STEP, 4 * TOK_PER_STEP))
    tcat = _tc_fold(table, W1)
    h_pre = _sc_gather_sum(tcat, idx)
    h2 = h_pre.reshape(n // 2, 2 * EMBED)
    z = jnp.zeros((EMBED, EMBED), jnp.float32)
    W2d = jnp.block([[W2, z], [z, W2]])
    b1p = jnp.tile(b1, 2).reshape(1, -1)
    b2p = jnp.tile(b2, 2).reshape(1, -1)
    out2 = _tc_mlp_paired(h2, b1p, W2d, b2p)
    return out2.reshape(seq, bsz, EMBED).transpose(1, 0, 2)

# --- scband reference (transcript-rebuilt; emitter-appended) ---
"""Pipeline reference for scband-byte-embedding-3582002725302 (READ-ONLY COPY).

The authoritative reference and input builder live on the scoring server;
editing this copy changes nothing except your own understanding.
"""

import jax, jax.numpy as jnp
import numpy as np

EMBED_DIM = 64
VOCAB = 256 * 4


def setup_inputs(seed: int = 0) -> dict:
    key = jax.random.key(seed)
    k_x, k_t, k_w1, k_b1, k_w2, k_b2 = jax.random.split(key, 6)
    x = jax.random.randint(k_x, (4096, 200, 4), 0, VOCAB, dtype=jnp.int64)
    table = jax.random.normal(k_t, (VOCAB, EMBED_DIM), dtype=jnp.float32) * 0.02
    W1 = jax.random.normal(k_w1, (4 * EMBED_DIM, EMBED_DIM), dtype=jnp.float32) * (1.0 / np.sqrt(4 * EMBED_DIM))
    b1 = jnp.zeros((EMBED_DIM,), dtype=jnp.float32)
    W2 = jax.random.normal(k_w2, (EMBED_DIM, EMBED_DIM), dtype=jnp.float32) * (1.0 / np.sqrt(EMBED_DIM))
    b2 = jnp.zeros((EMBED_DIM,), dtype=jnp.float32)
    return {"x": x, "table": table, "W1": W1, "b1": b1, "W2": W2, "b2": b2}


def reference(x, table, W1, b1, W2, b2):
    # embedding lookup: [B, S, 4] -> [B, S, 4, D]
    emb = jnp.take(table, x, axis=0)
    bsz, seq_len, c_len, embed_dim = emb.shape
    emb = emb.reshape(bsz, seq_len, c_len * embed_dim)
    # proj: Linear -> SiLU -> Linear
    h = emb @ W1 + b1
    h = jax.nn.silu(h)
    out = h @ W2 + b2
    return out

if __name__ == "__main__":
    import jax
    _d = setup_inputs()
    print(jax.jit(kernel)(*tuple(_d.values())))

</pallas_src>

<mosaic_0001>
#map = affine_map<(d0, d1) -> (0, 0)>
module attributes {stable_mosaic.version = 14 : i64} {
  func.func @gather_kernel(%arg0: i32, %arg1: i32, %arg2: memref<4096x64xbf16, #tpu.memory_space<hbm>>, %arg3: memref<3200x1024xi32, #tpu.memory_space<hbm>>, %arg4: memref<819200x64xbf16, #tpu.memory_space<hbm>>, %arg5: memref<8x128xi32, #tpu.memory_space<vmem>>, %arg6: memref<2x128xi32, #tpu.memory_space<vmem>>, %arg7: memref<1024x64xbf16, #tpu.memory_space<vmem>>, %arg8: memref<256x64xbf16, #tpu.memory_space<vmem>>, %arg9: memref<4096x64xbf16, #tpu.memory_space<vmem_shared>>, %arg10: memref<!tpu.dma_semaphore, #tpu.memory_space<semaphore_mem>>) attributes {dimension_semantics = [#tpu.dimension_semantics<core_parallel>, #tpu.dimension_semantics<subcore_parallel>], iteration_bounds = array<i64: 2, 16>, scalar_prefetch = 0 : i64, scratch_operands = 6 : i64, tpu.core_type = #tpu.core_type<sc_vector_subcore>, window_params = [{transform_indices = #map}, {transform_indices = #map}, {transform_indices = #map}]} {
    %mul3A = arith.constant 256 : i32
    %mul3A_0 = arith.muli %arg1, %mul3A : i32
    %scan3A = arith.constant 0 : i32
    %scan3A_1 = arith.constant 256 : i32
    %scan3A_2 = arith.addi %scan3A, %scan3A_1 : i32
    %scan3A_3 = arith.constant 1 : i32
    scf.for %scan3A_23 = %scan3A to %scan3A_2 step %scan3A_3  : i32 {
      %mul3A_24 = arith.constant 1 : i32
      %mul3A_25 = arith.muli %scan3A_23, %mul3A_24 : i32
      %add3A_26 = arith.constant 0 : i32
      %add3A_27 = arith.addi %add3A_26, %mul3A_25 : i32
      %scan3A_28 = arith.constant 0 : i32
      %scan3A_29 = arith.constant 2 : i32
      %scan3A_30 = arith.addi %scan3A_28, %scan3A_29 : i32
      %scan3A_31 = arith.constant 1 : i32
      scf.for %scan3A_33 = %scan3A_28 to %scan3A_30 step %scan3A_31  : i32 {
        %mul3A_34 = arith.constant 1 : i32
        %mul3A_35 = arith.muli %scan3A_33, %mul3A_34 : i32
        %add3A_36 = arith.constant 0 : i32
        %add3A_37 = arith.addi %add3A_36, %mul3A_35 : i32
        %broadcast_in_dim3A = arith.constant 0.000000e+00 : bf16
        %broadcast_in_dim3A_38 = vector.broadcast %broadcast_in_dim3A : bf16 to vector<1x32xbf16>
        %mul3A_39 = arith.constant 2 : i32
        %mul3A_40 = arith.muli %add3A_37, %mul3A_39 : i32
        %mul3A_41 = arith.constant 16 : i32
        %mul3A_42 = arith.muli %mul3A_40, %mul3A_41 : i32
        %swap3A = arith.index_cast %add3A_27 : i32 to index
        %swap3A_43 = arith.index_cast %mul3A_42 : i32 to index
        %swap3A_44 = tpu.vector_load %arg8[%swap3A, %swap3A_43] {strides = array<i32>} : memref<256x64xbf16, #tpu.memory_space<vmem>>, vector<1x32xbf16>,
        %swap3A_45 = vector.shape_cast %swap3A_44 : vector<1x32xbf16> to vector<1x32xbf16>
        %swap3A_46 = vector.shape_cast %broadcast_in_dim3A_38 : vector<1x32xbf16> to vector<1x32xbf16>
        tpu.vector_store %arg8[%swap3A, %swap3A_43], %swap3A_46 {strides = array<i32>} : memref<256x64xbf16, #tpu.memory_space<vmem>>, vector<1x32xbf16>,
      }
      %scan3A_32 = arith.constant 2 : i32
    }
    %scan3A_4 = arith.constant 256 : i32
    %scan3A_5 = arith.constant 0 : i32
    %scan3A_6 = arith.constant 8 : i32
    %scan3A_7 = arith.addi %scan3A_5, %scan3A_6 : i32
    %scan3A_8 = arith.constant 1 : i32
    scf.for %scan3A_23 = %scan3A_5 to %scan3A_7 step %scan3A_8  : i32 {
      %mul3A_24 = arith.constant 1 : i32
      %mul3A_25 = arith.muli %scan3A_23, %mul3A_24 : i32
      %add3A_26 = arith.constant 0 : i32
      %add3A_27 = arith.addi %add3A_26, %mul3A_25 : i32
      %iota3A = tpu.iota {dimensions = array<i32: 0>} : vector<16xi32>
      %mul3A_28 = arith.constant 16 : i32
      %mul3A_29 = arith.muli %add3A_27, %mul3A_28 : i32
      %add3A_30 = arith.constant 0 : i32
      %add3A_31 = arith.addi %add3A_30, %mul3A_29 : i32
      %add3A_32 = arith.addi %add3A_31, %mul3A_0 : i32
      %add3A_33 = vector.broadcast %add3A_32 : i32 to vector<16xi32>
      %add3A_34 = arith.addi %iota3A, %add3A_33 : vector<16xi32>
      %reshape3A = vector.shape_cast %add3A_34 : vector<16xi32> to vector<1x16xi32>
      %mul3A_35 = arith.constant 16 : i32
      %mul3A_36 = arith.muli %add3A_27, %mul3A_35 : i32
      %swap3A = arith.constant 0 : index
      %swap3A_37 = arith.index_cast %mul3A_36 : i32 to index
      %swap3A_38 = tpu.vector_load %arg6[%swap3A, %swap3A_37] {strides = array<i32>} : memref<2x128xi32, #tpu.memory_space<vmem>>, vector<1x16xi32>,
      %swap3A_39 = vector.shape_cast %swap3A_38 : vector<1x16xi32> to vector<1x16xi32>
      %swap3A_40 = vector.shape_cast %reshape3A : vector<1x16xi32> to vector<1x16xi32>
      tpu.vector_store %arg6[%swap3A, %swap3A_37], %swap3A_40 {strides = array<i32>} : memref<2x128xi32, #tpu.memory_space<vmem>>, vector<1x16xi32>,
    }
    %scan3A_9 = arith.constant 8 : i32
    %scan3A_10 = arith.constant 0 : i32
    %scan3A_11 = arith.constant 8 : i32
    %scan3A_12 = arith.addi %scan3A_10, %scan3A_11 : i32
    %scan3A_13 = arith.constant 1 : i32
    scf.for %scan3A_23 = %scan3A_10 to %scan3A_12 step %scan3A_13  : i32 {
      %mul3A_24 = arith.constant 1 : i32
      %mul3A_25 = arith.muli %scan3A_23, %mul3A_24 : i32
      %add3A_26 = arith.constant 0 : i32
      %add3A_27 = arith.addi %add3A_26, %mul3A_25 : i32
      %iota3A = tpu.iota {dimensions = array<i32: 0>} : vector<16xi32>
      %mul3A_28 = arith.constant 16 : i32
      %mul3A_29 = arith.muli %add3A_27, %mul3A_28 : i32
      %add3A_30 = arith.constant 128 : i32
      %add3A_31 = arith.addi %add3A_30, %mul3A_29 : i32
      %add3A_32 = arith.addi %add3A_31, %mul3A_0 : i32
      %add3A_33 = vector.broadcast %add3A_32 : i32 to vector<16xi32>
      %add3A_34 = arith.addi %iota3A, %add3A_33 : vector<16xi32>
      %reshape3A = vector.shape_cast %add3A_34 : vector<16xi32> to vector<1x16xi32>
      %mul3A_35 = arith.constant 16 : i32
      %mul3A_36 = arith.muli %add3A_27, %mul3A_35 : i32
      %swap3A = arith.constant 1 : index
      %swap3A_37 = arith.index_cast %mul3A_36 : i32 to index
      %swap3A_38 = tpu.vector_load %arg6[%swap3A, %swap3A_37] {strides = array<i32>} : memref<2x128xi32, #tpu.memory_space<vmem>>, vector<1x16xi32>,
      %swap3A_39 = vector.shape_cast %swap3A_38 : vector<1x16xi32> to vector<1x16xi32>
      %swap3A_40 = vector.shape_cast %reshape3A : vector<1x16xi32> to vector<1x16xi32>
      tpu.vector_store %arg6[%swap3A, %swap3A_37], %swap3A_40 {strides = array<i32>} : memref<2x128xi32, #tpu.memory_space<vmem>>, vector<1x16xi32>,
    }
    %scan3A_14 = arith.constant 8 : i32
    %mul3A_15 = arith.constant 1 : i32
    %mul3A_16 = arith.muli %arg1, %mul3A_15 : i32
    %add3A = arith.constant 0 : i32
    %add3A_17 = arith.addi %add3A, %mul3A_16 : i32
    %mul3A_18 = arith.constant 16 : i32
    %mul3A_19 = arith.muli %arg0, %mul3A_18 : i32
    %add3A_20 = arith.addi %add3A_17, %mul3A_19 : i32
    %mul3A_21 = arith.constant 100 : i32
    %mul3A_22 = arith.muli %add3A_20, %mul3A_21 : i32
    "tpu.region"() ({
      %run_scoped3A = memref.alloca() : memref<2x1x1024xi32, #tpu.memory_space<vmem>>
      %run_scoped3A_23 = tpu.sem_alloc : memref<2x!tpu.dma_semaphore, #tpu.memory_space<semaphore_mem>>
      %run_scoped3A_24 = memref.alloca() : memref<2x256x64xbf16, #tpu.memory_space<vmem>>
      %run_scoped3A_25 = tpu.sem_alloc : memref<2x!tpu.dma_semaphore, #tpu.memory_space<semaphore_mem>>
      %add3A_26 = arith.constant 0 : i32
      %add3A_27 = arith.addi %add3A_26, %mul3A_22 : i32
      %select_n3A = arith.constant true
      %select_n3A_28 = arith.constant 0 : i32
      %select_n3A_29 = arith.constant -1 : i32
      %select_n3A_30 = arith.select %select_n3A, %select_n3A_29, %select_n3A_28 : i32
      %eq3A = arith.constant -1 : i32
      %eq3A_31 = arith.cmpi eq, %select_n3A_30, %eq3A : i32
      %select_n3A_32 = arith.constant 99 : i32
      %select_n3A_33 = arith.select %eq3A_31, %select_n3A_32, %select_n3A_30 : i32
      %add3A_34 = arith.addi %select_n3A_33, %mul3A_22 : i32
      %select_n3A_35 = arith.constant true
      %select_n3A_36 = arith.constant 0 : i32
      %select_n3A_37 = arith.constant 1 : i32
      %select_n3A_38 = arith.select %select_n3A_35, %select_n3A_37, %select_n3A_36 : i32
      %eq3A_39 = arith.constant 100 : i32
      %eq3A_40 = arith.cmpi eq, %select_n3A_38, %eq3A_39 : i32
      %select_n3A_41 = arith.constant 0 : i32
      %select_n3A_42 = arith.select %eq3A_40, %select_n3A_41, %select_n3A_38 : i32
      %add3A_43 = arith.addi %select_n3A_42, %mul3A_22 : i32
      %add3A_44 = arith.constant 1 : i32
      %add3A_45 = arith.addi %select_n3A_42, %add3A_44 : i32
      %select_n3A_46 = arith.constant true
      %select_n3A_47 = arith.select %select_n3A_46, %add3A_45, %select_n3A_42 : i32
      %eq3A_48 = arith.constant 100 : i32
      %eq3A_49 = arith.cmpi eq, %select_n3A_47, %eq3A_48 : i32
      %select_n3A_50 = arith.constant 0 : i32
      %select_n3A_51 = arith.select %eq3A_49, %select_n3A_50, %select_n3A_47 : i32
      %add3A_52 = arith.addi %select_n3A_51, %mul3A_22 : i32
      "tpu.trace_start"() <{level = 10 : i32, message = "ep_initialize_0"}> : () -> ()
      %rem3A = arith.constant 0 : i32
      %rem3A_53 = arith.constant 2 : i32
      %rem3A_54 = arith.remui %rem3A, %rem3A_53 : i32
      %mul3A_55 = arith.constant 1 : i32
      %mul3A_56 = arith.muli %mul3A_55, %add3A_27 : i32
      %dma_start3A = arith.constant 0 : i32
      %dma_start3A_57 = arith.constant 0 : i32
      %dma_start3A_58 = tpu.memref_slice %run_scoped3A[%rem3A_54, %dma_start3A, %dma_start3A_57] : memref<2x1x1024xi32, #tpu.memory_space<vmem>> -> memref<1x1x1024xi32, #tpu.memory_space<vmem>>
      %dma_start3A_59 = tpu.memref_squeeze %dma_start3A_58 : memref<1x1x1024xi32, #tpu.memory_space<vmem>> -> memref<1x1024xi32, #tpu.memory_space<vmem>>
      %dma_start3A_60 = arith.constant 0 : i32
      %dma_start3A_61 = tpu.memref_slice %arg3[%mul3A_56, %dma_start3A_60] : memref<3200x1024xi32, #tpu.memory_space<hbm>> -> memref<1x1024xi32, #tpu.memory_space<hbm>>
      %dma_start3A_62 = tpu.memref_slice %run_scoped3A_23[%rem3A_54] : memref<2x!tpu.dma_semaphore, #tpu.memory_space<semaphore_mem>> -> memref<1x!tpu.dma_semaphore, #tpu.memory_space<semaphore_mem>>
      %dma_start3A_63 = tpu.memref_squeeze %dma_start3A_62 : memref<1x!tpu.dma_semaphore, #tpu.memory_space<semaphore_mem>> -> memref<!tpu.dma_semaphore, #tpu.memory_space<semaphore_mem>>
      %dma_start3A_64 = arith.constant 0 : i32
      %dma_start3A_65 = arith.constant 0 : i32
      %dma_start3A_66 = tpu.memref_slice %run_scoped3A[%rem3A_54, %dma_start3A_64, %dma_start3A_65] : memref<2x1x1024xi32, #tpu.memory_space<vmem>> -> memref<1x1x1024xi32, #tpu.memory_space<vmem>>
      %dma_start3A_67 = tpu.memref_squeeze %dma_start3A_66 : memref<1x1x1024xi32, #tpu.memory_space<vmem>> -> memref<1x1024xi32, #tpu.memory_space<vmem>>
      %dma_start3A_68 = arith.constant 0 : i32
      %dma_start3A_69 = tpu.memref_slice %arg3[%mul3A_56, %dma_start3A_68] : memref<3200x1024xi32, #tpu.memory_space<hbm>> -> memref<1x1024xi32, #tpu.memory_space<hbm>>
      tpu.enqueue_dma source(%dma_start3A_69 : memref<1x1024xi32, #tpu.memory_space<hbm>>) target(%dma_start3A_67 : memref<1x1024xi32, #tpu.memory_space<vmem>>) target_semaphore(%dma_start3A_63 : memref<!tpu.dma_semaphore, #tpu.memory_space<semaphore_mem>>)
      %add3A_70 = arith.constant 0 : i32
      %add3A_71 = arith.constant 1 : i32
      %add3A_72 = arith.addi %add3A_70, %add3A_71 : i32
      %select_n3A_73 = arith.constant true
      %select_n3A_74 = arith.constant 0 : i32
      %select_n3A_75 = arith.select %select_n3A_73, %add3A_72, %select_n3A_74 : i32
      "tpu.trace_stop"() : () -> ()
      %scan3A_76 = arith.constant 0 : i32
      %scan3A_77 = arith.constant 0 : i32
      %scan3A_78 = arith.constant 0 : i32
      %scan3A_79 = arith.constant 0 : i32
      %scan3A_80 = arith.constant 0 : i32
      %scan3A_81 = arith.constant 100 : i32
      %scan3A_82 = arith.addi %scan3A_80, %scan3A_81 : i32
      %scan3A_83 = arith.constant 1 : i32
      %scan3A_84:5 = scf.for %scan3A_138 = %scan3A_80 to %scan3A_82 step %scan3A_83 iter_args(%scan3A_139 = %select_n3A_75, %scan3A_140 = %scan3A_76, %scan3A_141 = %scan3A_77, %scan3A_142 = %scan3A_78, %scan3A_143 = %scan3A_79) -> (i32, i32, i32, i32, i32)  : i32 {
        %eq3A_144 = arith.constant 0 : i32
        %eq3A_145 = arith.cmpi eq, %scan3A_138, %eq3A_144 : i32
        %eq3A_146 = arith.constant 99 : i32
        %eq3A_147 = arith.cmpi eq, %scan3A_138, %eq3A_146 : i32
        %add3A_148 = arith.addi %scan3A_143, %mul3A_22 : i32
        %sub3A_149 = arith.constant 1 : i32
        %sub3A_150 = arith.subi %scan3A_143, %sub3A_149 : i32
        %select_n3A_151 = arith.constant true
        %select_n3A_152 = arith.select %select_n3A_151, %sub3A_150, %scan3A_143 : i32
        %eq3A_153 = arith.constant -1 : i32
        %eq3A_154 = arith.cmpi eq, %select_n3A_152, %eq3A_153 : i32
        %select_n3A_155 = arith.constant 99 : i32
        %select_n3A_156 = arith.select %eq3A_154, %select_n3A_155, %select_n3A_152 : i32
        %add3A_157 = arith.addi %select_n3A_156, %mul3A_22 : i32
        %add3A_158 = arith.constant 1 : i32
        %add3A_159 = arith.addi %scan3A_143, %add3A_158 : i32
        %select_n3A_160 = arith.constant true
        %select_n3A_161 = arith.select %select_n3A_160, %add3A_159, %scan3A_143 : i32
        %eq3A_162 = arith.constant 100 : i32
        %eq3A_163 = arith.cmpi eq, %select_n3A_161, %eq3A_162 : i32
        %select_n3A_164 = arith.constant 0 : i32
        %select_n3A_165 = arith.select %eq3A_163, %select_n3A_164, %select_n3A_161 : i32
        %add3A_166 = arith.addi %select_n3A_165, %mul3A_22 : i32
        %add3A_167 = arith.constant 1 : i32
        %add3A_168 = arith.addi %select_n3A_165, %add3A_167 : i32
        %select_n3A_169 = arith.constant true
        %select_n3A_170 = arith.select %select_n3A_169, %add3A_168, %select_n3A_165 : i32
        %eq3A_171 = arith.constant 100 : i32
        %eq3A_172 = arith.cmpi eq, %select_n3A_170, %eq3A_171 : i32
        %select_n3A_173 = arith.constant 0 : i32
        %select_n3A_174 = arith.select %eq3A_172, %select_n3A_173, %select_n3A_170 : i32
        %add3A_175 = arith.addi %select_n3A_174, %mul3A_22 : i32
        %ne3A = arith.cmpi ne, %add3A_148, %add3A_166 : i32
        %or3A = arith.constant false
        %or3A_176 = arith.ori %or3A, %ne3A : i1
        %or3A_177 = arith.constant false
        %or3A_178 = arith.ori %or3A_176, %or3A_177 : i1
        %ge3A = arith.constant 99 : i32
        %ge3A_179 = arith.cmpi sge, %scan3A_138, %ge3A : i32
        %not3A = arith.constant true
        %not3A_180 = arith.xori %ge3A_179, %not3A : i1
        %and3A = arith.andi %or3A_178, %not3A_180 : i1
        %convert_element_type3A = arith.extui %and3A : i1 to i32
        %cond3A = arith.constant 0 : i32
        %cond3A_181 = arith.cmpi ne, %convert_element_type3A, %cond3A : i32
        scf.if %cond3A_181 {
          "tpu.trace_start"() <{level = 10 : i32, message = "ep_copy_in"}> : () -> ()
          %rem3A_650 = arith.constant 2 : i32
          %rem3A_651 = arith.remui %scan3A_139, %rem3A_650 : i32
          %mul3A_652 = arith.constant 1 : i32
          %mul3A_653 = arith.muli %mul3A_652, %add3A_166 : i32
          %dma_start3A_654 = arith.constant 0 : i32
          %dma_start3A_655 = arith.constant 0 : i32
          %dma_start3A_656 = tpu.memref_slice %run_scoped3A[%rem3A_651, %dma_start3A_654, %dma_start3A_655] : memref<2x1x1024xi32, #tpu.memory_space<vmem>> -> memref<1x1x1024xi32, #tpu.memory_space<vmem>>
          %dma_start3A_657 = tpu.memref_squeeze %dma_start3A_656 : memref<1x1x1024xi32, #tpu.memory_space<vmem>> -> memref<1x1024xi32, #tpu.memory_space<vmem>>
          %dma_start3A_658 = arith.constant 0 : i32
          %dma_start3A_659 = tpu.memref_slice %arg3[%mul3A_653, %dma_start3A_658] : memref<3200x1024xi32, #tpu.memory_space<hbm>> -> memref<1x1024xi32, #tpu.memory_space<hbm>>
          %dma_start3A_660 = tpu.memref_slice %run_scoped3A_23[%rem3A_651] : memref<2x!tpu.dma_semaphore, #tpu.memory_space<semaphore_mem>> -> memref<1x!tpu.dma_semaphore, #tpu.memory_space<semaphore_mem>>
          %dma_start3A_661 = tpu.memref_squeeze %dma_start3A_660 : memref<1x!tpu.dma_semaphore, #tpu.memory_space<semaphore_mem>> -> memref<!tpu.dma_semaphore, #tpu.memory_space<semaphore_mem>>
          %dma_start3A_662 = arith.constant 0 : i32
          %dma_start3A_663 = arith.constant 0 : i32
          %dma_start3A_664 = tpu.memref_slice %run_scoped3A[%rem3A_651, %dma_start3A_662, %dma_start3A_663] : memref<2x1x1024xi32, #tpu.memory_space<vmem>> -> memref<1x1x1024xi32, #tpu.memory_space<vmem>>
          %dma_start3A_665 = tpu.memref_squeeze %dma_start3A_664 : memref<1x1x1024xi32, #tpu.memory_space<vmem>> -> memref<1x1024xi32, #tpu.memory_space<vmem>>
          %dma_start3A_666 = arith.constant 0 : i32
          %dma_start3A_667 = tpu.memref_slice %arg3[%mul3A_653, %dma_start3A_666] : memref<3200x1024xi32, #tpu.memory_space<hbm>> -> memref<1x1024xi32, #tpu.memory_space<hbm>>
          tpu.enqueue_dma source(%dma_start3A_667 : memref<1x1024xi32, #tpu.memory_space<hbm>>) target(%dma_start3A_665 : memref<1x1024xi32, #tpu.memory_space<vmem>>) target_semaphore(%dma_start3A_661 : memref<!tpu.dma_semaphore, #tpu.memory_space<semaphore_mem>>)
          "tpu.trace_stop"() : () -> ()
        } else {
        }
        %and3A_182 = arith.constant true
        %and3A_183 = arith.andi %and3A, %and3A_182 : i1
        %add3A_184 = arith.constant 1 : i32
        %add3A_185 = arith.addi %scan3A_139, %add3A_184 : i32
        %select_n3A_186 = arith.select %and3A_183, %add3A_185, %scan3A_139 : i32
        %ne3A_187 = arith.cmpi ne, %add3A_148, %add3A_166 : i32
        %or3A_188 = arith.constant false
        %or3A_189 = arith.ori %or3A_188, %ne3A_187 : i1
        %or3A_190 = arith.constant false
        %or3A_191 = arith.ori %or3A_189, %or3A_190 : i1
        %ge3A_192 = arith.constant 99 : i32
        %ge3A_193 = arith.cmpi sge, %scan3A_138, %ge3A_192 : i32
        %not3A_194 = arith.constant true
        %not3A_195 = arith.xori %ge3A_193, %not3A_194 : i1
        %and3A_196 = arith.andi %or3A_191, %not3A_195 : i1
        %ne3A_197 = arith.cmpi ne, %add3A_148, %add3A_157 : i32
        %or3A_198 = arith.constant false
        %or3A_199 = arith.ori %or3A_198, %ne3A_197 : i1
        %or3A_200 = arith.constant false
        %or3A_201 = arith.ori %or3A_199, %or3A_200 : i1
        %or3A_202 = arith.ori %or3A_201, %eq3A_145 : i1
        %convert_element_type3A_203 = arith.extui %or3A_202 : i1 to i32
        %cond3A_204 = arith.constant 0 : i32
        %cond3A_205 = arith.cmpi ne, %convert_element_type3A_203, %cond3A_204 : i32
        scf.if %cond3A_205 {
          "tpu.trace_start"() <{level = 10 : i32, message = "ep_wait_in"}> : () -> ()
          %mul3A_650 = arith.constant 1 : i32
          %mul3A_651 = arith.muli %mul3A_650, %add3A_148 : i32
          %rem3A_652 = arith.constant 2 : i32
          %rem3A_653 = arith.remui %scan3A_140, %rem3A_652 : i32
          %dma_wait3A_654 = arith.constant 0 : i32
          %dma_wait3A_655 = arith.constant 0 : i32
          %dma_wait3A_656 = tpu.memref_slice %run_scoped3A[%rem3A_653, %dma_wait3A_654, %dma_wait3A_655] : memref<2x1x1024xi32, #tpu.memory_space<vmem>> -> memref<1x1x1024xi32, #tpu.memory_space<vmem>>
          %dma_wait3A_657 = tpu.memref_squeeze %dma_wait3A_656 : memref<1x1x1024xi32, #tpu.memory_space<vmem>> -> memref<1x1024xi32, #tpu.memory_space<vmem>>
          %dma_wait3A_658 = arith.constant 0 : i32
          %dma_wait3A_659 = tpu.memref_slice %arg3[%mul3A_651, %dma_wait3A_658] : memref<3200x1024xi32, #tpu.memory_space<hbm>> -> memref<1x1024xi32, #tpu.memory_space<hbm>>
          %dma_wait3A_660 = tpu.memref_slice %run_scoped3A_23[%rem3A_653] : memref<2x!tpu.dma_semaphore, #tpu.memory_space<semaphore_mem>> -> memref<1x!tpu.dma_semaphore, #tpu.memory_space<semaphore_mem>>
          %dma_wait3A_661 = tpu.memref_squeeze %dma_wait3A_660 : memref<1x!tpu.dma_semaphore, #tpu.memory_space<semaphore_mem>> -> memref<!tpu.dma_semaphore, #tpu.memory_space<semaphore_mem>>
          %dma_wait3A_662 = arith.constant 0 : i32
          %dma_wait3A_663 = arith.constant 0 : i32
          %dma_wait3A_664 = tpu.memref_slice %run_scoped3A[%rem3A_653, %dma_wait3A_662, %dma_wait3A_663] : memref<2x1x1024xi32, #tpu.memory_space<vmem>> -> memref<1x1x1024xi32, #tpu.memory_space<vmem>>
          %dma_wait3A_665 = tpu.memref_squeeze %dma_wait3A_664 : memref<1x1x1024xi32, #tpu.memory_space<vmem>> -> memref<1x1024xi32, #tpu.memory_space<vmem>>
          %dma_wait3A_666 = arith.constant 0 : i32
          %dma_wait3A_667 = tpu.memref_slice %arg3[%mul3A_651, %dma_wait3A_666] : memref<3200x1024xi32, #tpu.memory_space<hbm>> -> memref<1x1024xi32, #tpu.memory_space<hbm>>
          tpu.wait_dma2 semaphore(%dma_wait3A_661 : memref<!tpu.dma_semaphore, #tpu.memory_space<semaphore_mem>>) src(%dma_wait3A_667 : memref<1x1024xi32, #tpu.memory_space<hbm>>) dst(%dma_wait3A_665 : memref<1x1024xi32, #tpu.memory_space<vmem>>)
          "tpu.trace_stop"() : () -> ()
        } else {
        }
        %ne3A_206 = arith.cmpi ne, %add3A_148, %add3A_157 : i32
        %or3A_207 = arith.constant false
        %or3A_208 = arith.ori %or3A_207, %ne3A_206 : i1
        %or3A_209 = arith.constant false
        %or3A_210 = arith.ori %or3A_208, %or3A_209 : i1
        %or3A_211 = arith.ori %or3A_210, %eq3A_145 : i1
        %convert_element_type3A_212 = arith.extui %or3A_211 : i1 to i32
        %cond3A_213 = arith.constant 0 : i32
        %cond3A_214 = arith.cmpi ne, %convert_element_type3A_212, %cond3A_213 : i32
        scf.if %cond3A_214 {
        } else {
        }
        %rem3A_215 = arith.constant 2 : i32
        %rem3A_216 = arith.remui %scan3A_140, %rem3A_215 : i32
        %rem3A_217 = arith.constant 2 : i32
        %rem3A_218 = arith.remui %scan3A_141, %rem3A_217 : i32
        "tpu.trace_start"() <{level = 10 : i32, message = "ep_run_kernel"}> : () -> ()
        %scan3A_219 = arith.constant 0 : i32
        %scan3A_220 = arith.constant 8 : i32
        %scan3A_221 = arith.addi %scan3A_219, %scan3A_220 : i32
        %scan3A_222 = arith.constant 1 : i32
        scf.for %scan3A_650 = %scan3A_219 to %scan3A_221 step %scan3A_222  : i32 {
          %mul3A_651 = arith.constant 1 : i32
          %mul3A_652 = arith.muli %scan3A_650, %mul3A_651 : i32
          %add3A_653 = arith.constant 0 : i32
          %add3A_654 = arith.addi %add3A_653, %mul3A_652 : i32
          %mul3A_655 = arith.constant 16 : i32
          %mul3A_656 = arith.muli %add3A_654, %mul3A_655 : i32
          %add3A_657 = arith.constant 0 : i32
          %add3A_658 = arith.addi %add3A_657, %mul3A_656 : i32
          %get3A = arith.constant 0 : i32
          %get3A_659 = arith.constant 0 : i32
          %get3A_660 = tpu.memref_slice %run_scoped3A[%rem3A_216, %get3A, %get3A_659] : memref<2x1x1024xi32, #tpu.memory_space<vmem>> -> memref<1x1x1024xi32, #tpu.memory_space<vmem>>
          %get3A_661 = tpu.memref_squeeze %get3A_660 : memref<1x1x1024xi32, #tpu.memory_space<vmem>> -> memref<1x1024xi32, #tpu.memory_space<vmem>>
          %get3A_662 = arith.constant 0 : index
          %get3A_663 = arith.index_cast %add3A_658 : i32 to index
          %get3A_664 = tpu.vector_load %get3A_661[%get3A_662, %get3A_663] {strides = array<i32>} : memref<1x1024xi32, #tpu.memory_space<vmem>>, vector<1x16xi32>,
          %get3A_665 = vector.shape_cast %get3A_664 : vector<1x16xi32> to vector<1x16xi32>
          %add3A_666 = arith.constant 0 : i32
          %add3A_667 = vector.broadcast %add3A_666 : i32 to vector<1x16xi32>
          %add3A_668 = arith.addi %get3A_665, %add3A_667 : vector<1x16xi32>
          %mul3A_669 = arith.constant 16 : i32
          %mul3A_670 = arith.muli %add3A_654, %mul3A_669 : i32
          %swap3A = arith.constant 0 : index
          %swap3A_671 = arith.index_cast %mul3A_670 : i32 to index
          %swap3A_672 = tpu.vector_load %arg5[%swap3A, %swap3A_671] {strides = array<i32>} : memref<8x128xi32, #tpu.memory_space<vmem>>, vector<1x16xi32>,
          %swap3A_673 = vector.shape_cast %swap3A_672 : vector<1x16xi32> to vector<1x16xi32>
          %swap3A_674 = vector.shape_cast %add3A_668 : vector<1x16xi32> to vector<1x16xi32>
          tpu.vector_store %arg5[%swap3A, %swap3A_671], %swap3A_674 {strides = array<i32>} : memref<8x128xi32, #tpu.memory_space<vmem>>, vector<1x16xi32>,
        }
        %scan3A_223 = arith.constant 8 : i32
        %scan3A_224 = arith.constant 0 : i32
        %scan3A_225 = arith.constant 8 : i32
        %scan3A_226 = arith.addi %scan3A_224, %scan3A_225 : i32
        %scan3A_227 = arith.constant 1 : i32
        scf.for %scan3A_650 = %scan3A_224 to %scan3A_226 step %scan3A_227  : i32 {
          %mul3A_651 = arith.constant 1 : i32
          %mul3A_652 = arith.muli %scan3A_650, %mul3A_651 : i32
          %add3A_653 = arith.constant 0 : i32
          %add3A_654 = arith.addi %add3A_653, %mul3A_652 : i32
          %mul3A_655 = arith.constant 16 : i32
          %mul3A_656 = arith.muli %add3A_654, %mul3A_655 : i32
          %add3A_657 = arith.constant 128 : i32
          %add3A_658 = arith.addi %add3A_657, %mul3A_656 : i32
          %get3A = arith.constant 0 : i32
          %get3A_659 = arith.constant 0 : i32
          %get3A_660 = tpu.memref_slice %run_scoped3A[%rem3A_216, %get3A, %get3A_659] : memref<2x1x1024xi32, #tpu.memory_space<vmem>> -> memref<1x1x1024xi32, #tpu.memory_space<vmem>>
          %get3A_661 = tpu.memref_squeeze %get3A_660 : memref<1x1x1024xi32, #tpu.memory_space<vmem>> -> memref<1x1024xi32, #tpu.memory_space<vmem>>
          %get3A_662 = arith.constant 0 : index
          %get3A_663 = arith.index_cast %add3A_658 : i32 to index
          %get3A_664 = tpu.vector_load %get3A_661[%get3A_662, %get3A_663] {strides = array<i32>} : memref<1x1024xi32, #tpu.memory_space<vmem>>, vector<1x16xi32>,
          %get3A_665 = vector.shape_cast %get3A_664 : vector<1x16xi32> to vector<1x16xi32>
          %add3A_666 = arith.constant 1024 : i32
          %add3A_667 = vector.broadcast %add3A_666 : i32 to vector<1x16xi32>
          %add3A_668 = arith.addi %get3A_665, %add3A_667 : vector<1x16xi32>
          %mul3A_669 = arith.constant 16 : i32
          %mul3A_670 = arith.muli %add3A_654, %mul3A_669 : i32
          %swap3A = arith.constant 1 : index
          %swap3A_671 = arith.index_cast %mul3A_670 : i32 to index
          %swap3A_672 = tpu.vector_load %arg5[%swap3A, %swap3A_671] {strides = array<i32>} : memref<8x128xi32, #tpu.memory_space<vmem>>, vector<1x16xi32>,
          %swap3A_673 = vector.shape_cast %swap3A_672 : vector<1x16xi32> to vector<1x16xi32>
          %swap3A_674 = vector.shape_cast %add3A_668 : vector<1x16xi32> to vector<1x16xi32>
          tpu.vector_store %arg5[%swap3A, %swap3A_671], %swap3A_674 {strides = array<i32>} : memref<8x128xi32, #tpu.memory_space<vmem>>, vector<1x16xi32>,
        }
        %scan3A_228 = arith.constant 8 : i32
        %scan3A_229 = arith.constant 0 : i32
        %scan3A_230 = arith.constant 8 : i32
        %scan3A_231 = arith.addi %scan3A_229, %scan3A_230 : i32
        %scan3A_232 = arith.constant 1 : i32
        scf.for %scan3A_650 = %scan3A_229 to %scan3A_231 step %scan3A_232  : i32 {
          %mul3A_651 = arith.constant 1 : i32
          %mul3A_652 = arith.muli %scan3A_650, %mul3A_651 : i32
          %add3A_653 = arith.constant 0 : i32
          %add3A_654 = arith.addi %add3A_653, %mul3A_652 : i32
          %mul3A_655 = arith.constant 16 : i32
          %mul3A_656 = arith.muli %add3A_654, %mul3A_655 : i32
          %add3A_657 = arith.constant 256 : i32
          %add3A_658 = arith.addi %add3A_657, %mul3A_656 : i32
          %get3A = arith.constant 0 : i32
          %get3A_659 = arith.constant 0 : i32
          %get3A_660 = tpu.memref_slice %run_scoped3A[%rem3A_216, %get3A, %get3A_659] : memref<2x1x1024xi32, #tpu.memory_space<vmem>> -> memref<1x1x1024xi32, #tpu.memory_space<vmem>>
          %get3A_661 = tpu.memref_squeeze %get3A_660 : memref<1x1x1024xi32, #tpu.memory_space<vmem>> -> memref<1x1024xi32, #tpu.memory_space<vmem>>
          %get3A_662 = arith.constant 0 : index
          %get3A_663 = arith.index_cast %add3A_658 : i32 to index
          %get3A_664 = tpu.vector_load %get3A_661[%get3A_662, %get3A_663] {strides = array<i32>} : memref<1x1024xi32, #tpu.memory_space<vmem>>, vector<1x16xi32>,
          %get3A_665 = vector.shape_cast %get3A_664 : vector<1x16xi32> to vector<1x16xi32>
          %add3A_666 = arith.constant 2048 : i32
          %add3A_667 = vector.broadcast %add3A_666 : i32 to vector<1x16xi32>
          %add3A_668 = arith.addi %get3A_665, %add3A_667 : vector<1x16xi32>
          %mul3A_669 = arith.constant 16 : i32
          %mul3A_670 = arith.muli %add3A_654, %mul3A_669 : i32
          %swap3A = arith.constant 2 : index
          %swap3A_671 = arith.index_cast %mul3A_670 : i32 to index
          %swap3A_672 = tpu.vector_load %arg5[%swap3A, %swap3A_671] {strides = array<i32>} : memref<8x128xi32, #tpu.memory_space<vmem>>, vector<1x16xi32>,
          %swap3A_673 = vector.shape_cast %swap3A_672 : vector<1x16xi32> to vector<1x16xi32>
          %swap3A_674 = vector.shape_cast %add3A_668 : vector<1x16xi32> to vector<1x16xi32>
          tpu.vector_store %arg5[%swap3A, %swap3A_671], %swap3A_674 {strides = array<i32>} : memref<8x128xi32, #tpu.memory_space<vmem>>, vector<1x16xi32>,
        }
        %scan3A_233 = arith.constant 8 : i32
        %scan3A_234 = arith.constant 0 : i32
        %scan3A_235 = arith.constant 8 : i32
        %scan3A_236 = arith.addi %scan3A_234, %scan3A_235 : i32
        %scan3A_237 = arith.constant 1 : i32
        scf.for %scan3A_650 = %scan3A_234 to %scan3A_236 step %scan3A_237  : i32 {
          %mul3A_651 = arith.constant 1 : i32
          %mul3A_652 = arith.muli %scan3A_650, %mul3A_651 : i32
          %add3A_653 = arith.constant 0 : i32
          %add3A_654 = arith.addi %add3A_653, %mul3A_652 : i32
          %mul3A_655 = arith.constant 16 : i32
          %mul3A_656 = arith.muli %add3A_654, %mul3A_655 : i32
          %add3A_657 = arith.constant 384 : i32
          %add3A_658 = arith.addi %add3A_657, %mul3A_656 : i32
          %get3A = arith.constant 0 : i32
          %get3A_659 = arith.constant 0 : i32
          %get3A_660 = tpu.memref_slice %run_scoped3A[%rem3A_216, %get3A, %get3A_659] : memref<2x1x1024xi32, #tpu.memory_space<vmem>> -> memref<1x1x1024xi32, #tpu.memory_space<vmem>>
          %get3A_661 = tpu.memref_squeeze %get3A_660 : memref<1x1x1024xi32, #tpu.memory_space<vmem>> -> memref<1x1024xi32, #tpu.memory_space<vmem>>
          %get3A_662 = arith.constant 0 : index
          %get3A_663 = arith.index_cast %add3A_658 : i32 to index
          %get3A_664 = tpu.vector_load %get3A_661[%get3A_662, %get3A_663] {strides = array<i32>} : memref<1x1024xi32, #tpu.memory_space<vmem>>, vector<1x16xi32>,
          %get3A_665 = vector.shape_cast %get3A_664 : vector<1x16xi32> to vector<1x16xi32>
          %add3A_666 = arith.constant 3072 : i32
          %add3A_667 = vector.broadcast %add3A_666 : i32 to vector<1x16xi32>
          %add3A_668 = arith.addi %get3A_665, %add3A_667 : vector<1x16xi32>
          %mul3A_669 = arith.constant 16 : i32
          %mul3A_670 = arith.muli %add3A_654, %mul3A_669 : i32
          %swap3A = arith.constant 3 : index
          %swap3A_671 = arith.index_cast %mul3A_670 : i32 to index
          %swap3A_672 = tpu.vector_load %arg5[%swap3A, %swap3A_671] {strides = array<i32>} : memref<8x128xi32, #tpu.memory_space<vmem>>, vector<1x16xi32>,
          %swap3A_673 = vector.shape_cast %swap3A_672 : vector<1x16xi32> to vector<1x16xi32>
          %swap3A_674 = vector.shape_cast %add3A_668 : vector<1x16xi32> to vector<1x16xi32>
          tpu.vector_store %arg5[%swap3A, %swap3A_671], %swap3A_674 {strides = array<i32>} : memref<8x128xi32, #tpu.memory_space<vmem>>, vector<1x16xi32>,
        }
        %scan3A_238 = arith.constant 8 : i32
        %scan3A_239 = arith.constant 0 : i32
        %scan3A_240 = arith.constant 8 : i32
        %scan3A_241 = arith.addi %scan3A_239, %scan3A_240 : i32
        %scan3A_242 = arith.constant 1 : i32
        scf.for %scan3A_650 = %scan3A_239 to %scan3A_241 step %scan3A_242  : i32 {
          %mul3A_651 = arith.constant 1 : i32
          %mul3A_652 = arith.muli %scan3A_650, %mul3A_651 : i32
          %add3A_653 = arith.constant 0 : i32
          %add3A_654 = arith.addi %add3A_653, %mul3A_652 : i32
          %mul3A_655 = arith.constant 16 : i32
          %mul3A_656 = arith.muli %add3A_654, %mul3A_655 : i32
          %add3A_657 = arith.constant 512 : i32
          %add3A_658 = arith.addi %add3A_657, %mul3A_656 : i32
          %get3A = arith.constant 0 : i32
          %get3A_659 = arith.constant 0 : i32
          %get3A_660 = tpu.memref_slice %run_scoped3A[%rem3A_216, %get3A, %get3A_659] : memref<2x1x1024xi32, #tpu.memory_space<vmem>> -> memref<1x1x1024xi32, #tpu.memory_space<vmem>>
          %get3A_661 = tpu.memref_squeeze %get3A_660 : memref<1x1x1024xi32, #tpu.memory_space<vmem>> -> memref<1x1024xi32, #tpu.memory_space<vmem>>
          %get3A_662 = arith.constant 0 : index
          %get3A_663 = arith.index_cast %add3A_658 : i32 to index
          %get3A_664 = tpu.vector_load %get3A_661[%get3A_662, %get3A_663] {strides = array<i32>} : memref<1x1024xi32, #tpu.memory_space<vmem>>, vector<1x16xi32>,
          %get3A_665 = vector.shape_cast %get3A_664 : vector<1x16xi32> to vector<1x16xi32>
          %add3A_666 = arith.constant 0 : i32
          %add3A_667 = vector.broadcast %add3A_666 : i32 to vector<1x16xi32>
          %add3A_668 = arith.addi %get3A_665, %add3A_667 : vector<1x16xi32>
          %mul3A_669 = arith.constant 16 : i32
          %mul3A_670 = arith.muli %add3A_654, %mul3A_669 : i32
          %swap3A = arith.constant 4 : index
          %swap3A_671 = arith.index_cast %mul3A_670 : i32 to index
          %swap3A_672 = tpu.vector_load %arg5[%swap3A, %swap3A_671] {strides = array<i32>} : memref<8x128xi32, #tpu.memory_space<vmem>>, vector<1x16xi32>,
          %swap3A_673 = vector.shape_cast %swap3A_672 : vector<1x16xi32> to vector<1x16xi32>
          %swap3A_674 = vector.shape_cast %add3A_668 : vector<1x16xi32> to vector<1x16xi32>
          tpu.vector_store %arg5[%swap3A, %swap3A_671], %swap3A_674 {strides = array<i32>} : memref<8x128xi32, #tpu.memory_space<vmem>>, vector<1x16xi32>,
        }
        %scan3A_243 = arith.constant 8 : i32
        %scan3A_244 = arith.constant 0 : i32
        %scan3A_245 = arith.constant 8 : i32
        %scan3A_246 = arith.addi %scan3A_244, %scan3A_245 : i32
        %scan3A_247 = arith.constant 1 : i32
        scf.for %scan3A_650 = %scan3A_244 to %scan3A_246 step %scan3A_247  : i32 {
          %mul3A_651 = arith.constant 1 : i32
          %mul3A_652 = arith.muli %scan3A_650, %mul3A_651 : i32
          %add3A_653 = arith.constant 0 : i32
          %add3A_654 = arith.addi %add3A_653, %mul3A_652 : i32
          %mul3A_655 = arith.constant 16 : i32
          %mul3A_656 = arith.muli %add3A_654, %mul3A_655 : i32
          %add3A_657 = arith.constant 640 : i32
          %add3A_658 = arith.addi %add3A_657, %mul3A_656 : i32
          %get3A = arith.constant 0 : i32
          %get3A_659 = arith.constant 0 : i32
          %get3A_660 = tpu.memref_slice %run_scoped3A[%rem3A_216, %get3A, %get3A_659] : memref<2x1x1024xi32, #tpu.memory_space<vmem>> -> memref<1x1x1024xi32, #tpu.memory_space<vmem>>
          %get3A_661 = tpu.memref_squeeze %get3A_660 : memref<1x1x1024xi32, #tpu.memory_space<vmem>> -> memref<1x1024xi32, #tpu.memory_space<vmem>>
          %get3A_662 = arith.constant 0 : index
          %get3A_663 = arith.index_cast %add3A_658 : i32 to index
          %get3A_664 = tpu.vector_load %get3A_661[%get3A_662, %get3A_663] {strides = array<i32>} : memref<1x1024xi32, #tpu.memory_space<vmem>>, vector<1x16xi32>,
          %get3A_665 = vector.shape_cast %get3A_664 : vector<1x16xi32> to vector<1x16xi32>
          %add3A_666 = arith.constant 1024 : i32
          %add3A_667 = vector.broadcast %add3A_666 : i32 to vector<1x16xi32>
          %add3A_668 = arith.addi %get3A_665, %add3A_667 : vector<1x16xi32>
          %mul3A_669 = arith.constant 16 : i32
          %mul3A_670 = arith.muli %add3A_654, %mul3A_669 : i32
          %swap3A = arith.constant 5 : index
          %swap3A_671 = arith.index_cast %mul3A_670 : i32 to index
          %swap3A_672 = tpu.vector_load %arg5[%swap3A, %swap3A_671] {strides = array<i32>} : memref<8x128xi32, #tpu.memory_space<vmem>>, vector<1x16xi32>,
          %swap3A_673 = vector.shape_cast %swap3A_672 : vector<1x16xi32> to vector<1x16xi32>
          %swap3A_674 = vector.shape_cast %add3A_668 : vector<1x16xi32> to vector<1x16xi32>
          tpu.vector_store %arg5[%swap3A, %swap3A_671], %swap3A_674 {strides = array<i32>} : memref<8x128xi32, #tpu.memory_space<vmem>>, vector<1x16xi32>,
        }
        %scan3A_248 = arith.constant 8 : i32
        %scan3A_249 = arith.constant 0 : i32
        %scan3A_250 = arith.constant 8 : i32
        %scan3A_251 = arith.addi %scan3A_249, %scan3A_250 : i32
        %scan3A_252 = arith.constant 1 : i32
        scf.for %scan3A_650 = %scan3A_249 to %scan3A_251 step %scan3A_252  : i32 {
          %mul3A_651 = arith.constant 1 : i32
          %mul3A_652 = arith.muli %scan3A_650, %mul3A_651 : i32
          %add3A_653 = arith.constant 0 : i32
          %add3A_654 = arith.addi %add3A_653, %mul3A_652 : i32
          %mul3A_655 = arith.constant 16 : i32
          %mul3A_656 = arith.muli %add3A_654, %mul3A_655 : i32
          %add3A_657 = arith.constant 768 : i32
          %add3A_658 = arith.addi %add3A_657, %mul3A_656 : i32
          %get3A = arith.constant 0 : i32
          %get3A_659 = arith.constant 0 : i32
          %get3A_660 = tpu.memref_slice %run_scoped3A[%rem3A_216, %get3A, %get3A_659] : memref<2x1x1024xi32, #tpu.memory_space<vmem>> -> memref<1x1x1024xi32, #tpu.memory_space<vmem>>
          %get3A_661 = tpu.memref_squeeze %get3A_660 : memref<1x1x1024xi32, #tpu.memory_space<vmem>> -> memref<1x1024xi32, #tpu.memory_space<vmem>>
          %get3A_662 = arith.constant 0 : index
          %get3A_663 = arith.index_cast %add3A_658 : i32 to index
          %get3A_664 = tpu.vector_load %get3A_661[%get3A_662, %get3A_663] {strides = array<i32>} : memref<1x1024xi32, #tpu.memory_space<vmem>>, vector<1x16xi32>,
          %get3A_665 = vector.shape_cast %get3A_664 : vector<1x16xi32> to vector<1x16xi32>
          %add3A_666 = arith.constant 2048 : i32
          %add3A_667 = vector.broadcast %add3A_666 : i32 to vector<1x16xi32>
          %add3A_668 = arith.addi %get3A_665, %add3A_667 : vector<1x16xi32>
          %mul3A_669 = arith.constant 16 : i32
          %mul3A_670 = arith.muli %add3A_654, %mul3A_669 : i32
          %swap3A = arith.constant 6 : index
          %swap3A_671 = arith.index_cast %mul3A_670 : i32 to index
          %swap3A_672 = tpu.vector_load %arg5[%swap3A, %swap3A_671] {strides = array<i32>} : memref<8x128xi32, #tpu.memory_space<vmem>>, vector<1x16xi32>,
          %swap3A_673 = vector.shape_cast %swap3A_672 : vector<1x16xi32> to vector<1x16xi32>
          %swap3A_674 = vector.shape_cast %add3A_668 : vector<1x16xi32> to vector<1x16xi32>
          tpu.vector_store %arg5[%swap3A, %swap3A_671], %swap3A_674 {strides = array<i32>} : memref<8x128xi32, #tpu.memory_space<vmem>>, vector<1x16xi32>,
        }
        %scan3A_253 = arith.constant 8 : i32
        %scan3A_254 = arith.constant 0 : i32
        %scan3A_255 = arith.constant 8 : i32
        %scan3A_256 = arith.addi %scan3A_254, %scan3A_255 : i32
        %scan3A_257 = arith.constant 1 : i32
        scf.for %scan3A_650 = %scan3A_254 to %scan3A_256 step %scan3A_257  : i32 {
          %mul3A_651 = arith.constant 1 : i32
          %mul3A_652 = arith.muli %scan3A_650, %mul3A_651 : i32
          %add3A_653 = arith.constant 0 : i32
          %add3A_654 = arith.addi %add3A_653, %mul3A_652 : i32
          %mul3A_655 = arith.constant 16 : i32
          %mul3A_656 = arith.muli %add3A_654, %mul3A_655 : i32
          %add3A_657 = arith.constant 896 : i32
          %add3A_658 = arith.addi %add3A_657, %mul3A_656 : i32
          %get3A = arith.constant 0 : i32
          %get3A_659 = arith.constant 0 : i32
          %get3A_660 = tpu.memref_slice %run_scoped3A[%rem3A_216, %get3A, %get3A_659] : memref<2x1x1024xi32, #tpu.memory_space<vmem>> -> memref<1x1x1024xi32, #tpu.memory_space<vmem>>
          %get3A_661 = tpu.memref_squeeze %get3A_660 : memref<1x1x1024xi32, #tpu.memory_space<vmem>> -> memref<1x1024xi32, #tpu.memory_space<vmem>>
          %get3A_662 = arith.constant 0 : index
          %get3A_663 = arith.index_cast %add3A_658 : i32 to index
          %get3A_664 = tpu.vector_load %get3A_661[%get3A_662, %get3A_663] {strides = array<i32>} : memref<1x1024xi32, #tpu.memory_space<vmem>>, vector<1x16xi32>,
          %get3A_665 = vector.shape_cast %get3A_664 : vector<1x16xi32> to vector<1x16xi32>
          %add3A_666 = arith.constant 3072 : i32
          %add3A_667 = vector.broadcast %add3A_666 : i32 to vector<1x16xi32>
          %add3A_668 = arith.addi %get3A_665, %add3A_667 : vector<1x16xi32>
          %mul3A_669 = arith.constant 16 : i32
          %mul3A_670 = arith.muli %add3A_654, %mul3A_669 : i32
          %swap3A = arith.constant 7 : index
          %swap3A_671 = arith.index_cast %mul3A_670 : i32 to index
          %swap3A_672 = tpu.vector_load %arg5[%swap3A, %swap3A_671] {strides = array<i32>} : memref<8x128xi32, #tpu.memory_space<vmem>>, vector<1x16xi32>,
          %swap3A_673 = vector.shape_cast %swap3A_672 : vector<1x16xi32> to vector<1x16xi32>
          %swap3A_674 = vector.shape_cast %add3A_668 : vector<1x16xi32> to vector<1x16xi32>
          tpu.vector_store %arg5[%swap3A, %swap3A_671], %swap3A_674 {strides = array<i32>} : memref<8x128xi32, #tpu.memory_space<vmem>>, vector<1x16xi32>,
        }
        %scan3A_258 = arith.constant 8 : i32
        %dma_start3A_259 = arith.constant 0 : i32
        %dma_start3A_260 = arith.constant 0 : i32
        %dma_start3A_261 = arith.constant 0 : i32
        %dma_start3A_262 = tpu.memref_slice %arg7[%dma_start3A_260, %dma_start3A_261] : memref<1024x64xbf16, #tpu.memory_space<vmem>> -> memref<128x64xbf16, #tpu.memory_space<vmem>>
        %dma_start3A_263 = arith.constant 0 : i32
        %dma_start3A_264 = tpu.memref_slice %arg5[%dma_start3A_259, %dma_start3A_263] : memref<8x128xi32, #tpu.memory_space<vmem>> -> memref<1x128xi32, #tpu.memory_space<vmem>>
        %dma_start3A_265 = tpu.memref_squeeze %dma_start3A_264 : memref<1x128xi32, #tpu.memory_space<vmem>> -> memref<128xi32, #tpu.memory_space<vmem>>
        %dma_start3A_266 = arith.constant 0 : i32
        %dma_start3A_267 = arith.constant 0 : i32
        %dma_start3A_268 = tpu.memref_slice %arg2[%dma_start3A_266, %dma_start3A_267] : memref<4096x64xbf16, #tpu.memory_space<hbm>> -> memref<4096x64xbf16, #tpu.memory_space<hbm>>
        tpu.enqueue_indirect_dma source(%dma_start3A_268 : memref<4096x64xbf16, #tpu.memory_space<hbm>>) target(%dma_start3A_262 : memref<128x64xbf16, #tpu.memory_space<vmem>>) offsets(%dma_start3A_265 : memref<128xi32, #tpu.memory_space<vmem>>) semaphore(%arg10 : memref<!tpu.dma_semaphore, #tpu.memory_space<semaphore_mem>>)
        %dma_start3A_269 = arith.constant 1 : i32
        %dma_start3A_270 = arith.constant 128 : i32
        %dma_start3A_271 = arith.constant 0 : i32
        %dma_start3A_272 = tpu.memref_slice %arg7[%dma_start3A_270, %dma_start3A_271] : memref<1024x64xbf16, #tpu.memory_space<vmem>> -> memref<128x64xbf16, #tpu.memory_space<vmem>>
        %dma_start3A_273 = arith.constant 0 : i32
        %dma_start3A_274 = tpu.memref_slice %arg5[%dma_start3A_269, %dma_start3A_273] : memref<8x128xi32, #tpu.memory_space<vmem>> -> memref<1x128xi32, #tpu.memory_space<vmem>>
        %dma_start3A_275 = tpu.memref_squeeze %dma_start3A_274 : memref<1x128xi32, #tpu.memory_space<vmem>> -> memref<128xi32, #tpu.memory_space<vmem>>
        %dma_start3A_276 = arith.constant 0 : i32
        %dma_start3A_277 = arith.constant 0 : i32
        %dma_start3A_278 = tpu.memref_slice %arg2[%dma_start3A_276, %dma_start3A_277] : memref<4096x64xbf16, #tpu.memory_space<hbm>> -> memref<4096x64xbf16, #tpu.memory_space<hbm>>
        tpu.enqueue_indirect_dma source(%dma_start3A_278 : memref<4096x64xbf16, #tpu.memory_space<hbm>>) target(%dma_start3A_272 : memref<128x64xbf16, #tpu.memory_space<vmem>>) offsets(%dma_start3A_275 : memref<128xi32, #tpu.memory_space<vmem>>) semaphore(%arg10 : memref<!tpu.dma_semaphore, #tpu.memory_space<semaphore_mem>>)
        %dma_start3A_279 = arith.constant 2 : i32
        %dma_start3A_280 = arith.constant 256 : i32
        %dma_start3A_281 = arith.constant 0 : i32
        %dma_start3A_282 = tpu.memref_slice %arg7[%dma_start3A_280, %dma_start3A_281] : memref<1024x64xbf16, #tpu.memory_space<vmem>> -> memref<128x64xbf16, #tpu.memory_space<vmem>>
        %dma_start3A_283 = arith.constant 0 : i32
        %dma_start3A_284 = tpu.memref_slice %arg5[%dma_start3A_279, %dma_start3A_283] : memref<8x128xi32, #tpu.memory_space<vmem>> -> memref<1x128xi32, #tpu.memory_space<vmem>>
        %dma_start3A_285 = tpu.memref_squeeze %dma_start3A_284 : memref<1x128xi32, #tpu.memory_space<vmem>> -> memref<128xi32, #tpu.memory_space<vmem>>
        %dma_start3A_286 = arith.constant 0 : i32
        %dma_start3A_287 = arith.constant 0 : i32
        %dma_start3A_288 = tpu.memref_slice %arg2[%dma_start3A_286, %dma_start3A_287] : memref<4096x64xbf16, #tpu.memory_space<hbm>> -> memref<4096x64xbf16, #tpu.memory_space<hbm>>
        tpu.enqueue_indirect_dma source(%dma_start3A_288 : memref<4096x64xbf16, #tpu.memory_space<hbm>>) target(%dma_start3A_282 : memref<128x64xbf16, #tpu.memory_space<vmem>>) offsets(%dma_start3A_285 : memref<128xi32, #tpu.memory_space<vmem>>) semaphore(%arg10 : memref<!tpu.dma_semaphore, #tpu.memory_space<semaphore_mem>>)
        %dma_start3A_289 = arith.constant 3 : i32
        %dma_start3A_290 = arith.constant 384 : i32
        %dma_start3A_291 = arith.constant 0 : i32
        %dma_start3A_292 = tpu.memref_slice %arg7[%dma_start3A_290, %dma_start3A_291] : memref<1024x64xbf16, #tpu.memory_space<vmem>> -> memref<128x64xbf16, #tpu.memory_space<vmem>>
        %dma_start3A_293 = arith.constant 0 : i32
        %dma_start3A_294 = tpu.memref_slice %arg5[%dma_start3A_289, %dma_start3A_293] : memref<8x128xi32, #tpu.memory_space<vmem>> -> memref<1x128xi32, #tpu.memory_space<vmem>>
        %dma_start3A_295 = tpu.memref_squeeze %dma_start3A_294 : memref<1x128xi32, #tpu.memory_space<vmem>> -> memref<128xi32, #tpu.memory_space<vmem>>
        %dma_start3A_296 = arith.constant 0 : i32
        %dma_start3A_297 = arith.constant 0 : i32
        %dma_start3A_298 = tpu.memref_slice %arg2[%dma_start3A_296, %dma_start3A_297] : memref<4096x64xbf16, #tpu.memory_space<hbm>> -> memref<4096x64xbf16, #tpu.memory_space<hbm>>
        tpu.enqueue_indirect_dma source(%dma_start3A_298 : memref<4096x64xbf16, #tpu.memory_space<hbm>>) target(%dma_start3A_292 : memref<128x64xbf16, #tpu.memory_space<vmem>>) offsets(%dma_start3A_295 : memref<128xi32, #tpu.memory_space<vmem>>) semaphore(%arg10 : memref<!tpu.dma_semaphore, #tpu.memory_space<semaphore_mem>>)
        %dma_start3A_299 = arith.constant 4 : i32
        %dma_start3A_300 = arith.constant 512 : i32
        %dma_start3A_301 = arith.constant 0 : i32
        %dma_start3A_302 = tpu.memref_slice %arg7[%dma_start3A_300, %dma_start3A_301] : memref<1024x64xbf16, #tpu.memory_space<vmem>> -> memref<128x64xbf16, #tpu.memory_space<vmem>>
        %dma_start3A_303 = arith.constant 0 : i32
        %dma_start3A_304 = tpu.memref_slice %arg5[%dma_start3A_299, %dma_start3A_303] : memref<8x128xi32, #tpu.memory_space<vmem>> -> memref<1x128xi32, #tpu.memory_space<vmem>>
        %dma_start3A_305 = tpu.memref_squeeze %dma_start3A_304 : memref<1x128xi32, #tpu.memory_space<vmem>> -> memref<128xi32, #tpu.memory_space<vmem>>
        %dma_start3A_306 = arith.constant 0 : i32
        %dma_start3A_307 = arith.constant 0 : i32
        %dma_start3A_308 = tpu.memref_slice %arg2[%dma_start3A_306, %dma_start3A_307] : memref<4096x64xbf16, #tpu.memory_space<hbm>> -> memref<4096x64xbf16, #tpu.memory_space<hbm>>
        tpu.enqueue_indirect_dma source(%dma_start3A_308 : memref<4096x64xbf16, #tpu.memory_space<hbm>>) target(%dma_start3A_302 : memref<128x64xbf16, #tpu.memory_space<vmem>>) offsets(%dma_start3A_305 : memref<128xi32, #tpu.memory_space<vmem>>) semaphore(%arg10 : memref<!tpu.dma_semaphore, #tpu.memory_space<semaphore_mem>>)
        %dma_start3A_309 = arith.constant 5 : i32
        %dma_start3A_310 = arith.constant 640 : i32
        %dma_start3A_311 = arith.constant 0 : i32
        %dma_start3A_312 = tpu.memref_slice %arg7[%dma_start3A_310, %dma_start3A_311] : memref<1024x64xbf16, #tpu.memory_space<vmem>> -> memref<128x64xbf16, #tpu.memory_space<vmem>>
        %dma_start3A_313 = arith.constant 0 : i32
        %dma_start3A_314 = tpu.memref_slice %arg5[%dma_start3A_309, %dma_start3A_313] : memref<8x128xi32, #tpu.memory_space<vmem>> -> memref<1x128xi32, #tpu.memory_space<vmem>>
        %dma_start3A_315 = tpu.memref_squeeze %dma_start3A_314 : memref<1x128xi32, #tpu.memory_space<vmem>> -> memref<128xi32, #tpu.memory_space<vmem>>
        %dma_start3A_316 = arith.constant 0 : i32
        %dma_start3A_317 = arith.constant 0 : i32
        %dma_start3A_318 = tpu.memref_slice %arg2[%dma_start3A_316, %dma_start3A_317] : memref<4096x64xbf16, #tpu.memory_space<hbm>> -> memref<4096x64xbf16, #tpu.memory_space<hbm>>
        tpu.enqueue_indirect_dma source(%dma_start3A_318 : memref<4096x64xbf16, #tpu.memory_space<hbm>>) target(%dma_start3A_312 : memref<128x64xbf16, #tpu.memory_space<vmem>>) offsets(%dma_start3A_315 : memref<128xi32, #tpu.memory_space<vmem>>) semaphore(%arg10 : memref<!tpu.dma_semaphore, #tpu.memory_space<semaphore_mem>>)
        %dma_start3A_319 = arith.constant 6 : i32
        %dma_start3A_320 = arith.constant 768 : i32
        %dma_start3A_321 = arith.constant 0 : i32
        %dma_start3A_322 = tpu.memref_slice %arg7[%dma_start3A_320, %dma_start3A_321] : memref<1024x64xbf16, #tpu.memory_space<vmem>> -> memref<128x64xbf16, #tpu.memory_space<vmem>>
        %dma_start3A_323 = arith.constant 0 : i32
        %dma_start3A_324 = tpu.memref_slice %arg5[%dma_start3A_319, %dma_start3A_323] : memref<8x128xi32, #tpu.memory_space<vmem>> -> memref<1x128xi32, #tpu.memory_space<vmem>>
        %dma_start3A_325 = tpu.memref_squeeze %dma_start3A_324 : memref<1x128xi32, #tpu.memory_space<vmem>> -> memref<128xi32, #tpu.memory_space<vmem>>
        %dma_start3A_326 = arith.constant 0 : i32
        %dma_start3A_327 = arith.constant 0 : i32
        %dma_start3A_328 = tpu.memref_slice %arg2[%dma_start3A_326, %dma_start3A_327] : memref<4096x64xbf16, #tpu.memory_space<hbm>> -> memref<4096x64xbf16, #tpu.memory_space<hbm>>
        tpu.enqueue_indirect_dma source(%dma_start3A_328 : memref<4096x64xbf16, #tpu.memory_space<hbm>>) target(%dma_start3A_322 : memref<128x64xbf16, #tpu.memory_space<vmem>>) offsets(%dma_start3A_325 : memref<128xi32, #tpu.memory_space<vmem>>) semaphore(%arg10 : memref<!tpu.dma_semaphore, #tpu.memory_space<semaphore_mem>>)
        %dma_start3A_329 = arith.constant 7 : i32
        %dma_start3A_330 = arith.constant 896 : i32
        %dma_start3A_331 = arith.constant 0 : i32
        %dma_start3A_332 = tpu.memref_slice %arg7[%dma_start3A_330, %dma_start3A_331] : memref<1024x64xbf16, #tpu.memory_space<vmem>> -> memref<128x64xbf16, #tpu.memory_space<vmem>>
        %dma_start3A_333 = arith.constant 0 : i32
        %dma_start3A_334 = tpu.memref_slice %arg5[%dma_start3A_329, %dma_start3A_333] : memref<8x128xi32, #tpu.memory_space<vmem>> -> memref<1x128xi32, #tpu.memory_space<vmem>>
        %dma_start3A_335 = tpu.memref_squeeze %dma_start3A_334 : memref<1x128xi32, #tpu.memory_space<vmem>> -> memref<128xi32, #tpu.memory_space<vmem>>
        %dma_start3A_336 = arith.constant 0 : i32
        %dma_start3A_337 = arith.constant 0 : i32
        %dma_start3A_338 = tpu.memref_slice %arg2[%dma_start3A_336, %dma_start3A_337] : memref<4096x64xbf16, #tpu.memory_space<hbm>> -> memref<4096x64xbf16, #tpu.memory_space<hbm>>
        tpu.enqueue_indirect_dma source(%dma_start3A_338 : memref<4096x64xbf16, #tpu.memory_space<hbm>>) target(%dma_start3A_332 : memref<128x64xbf16, #tpu.memory_space<vmem>>) offsets(%dma_start3A_335 : memref<128xi32, #tpu.memory_space<vmem>>) semaphore(%arg10 : memref<!tpu.dma_semaphore, #tpu.memory_space<semaphore_mem>>)
        "tpu.region"() ({
          %run_scoped3A_650 = tpu.sem_alloc : memref<!tpu.dma_semaphore, #tpu.memory_space<semaphore_mem>>
          %dma_start3A_651 = arith.constant 0 : i32
          %dma_start3A_652 = tpu.memref_slice %arg9[%mul3A_0, %dma_start3A_651] : memref<4096x64xbf16, #tpu.memory_space<vmem_shared>> -> memref<256x64xbf16, #tpu.memory_space<vmem_shared>>
          %dma_start3A_653 = arith.constant 0 : i32
          %dma_start3A_654 = tpu.memref_slice %arg9[%mul3A_0, %dma_start3A_653] : memref<4096x64xbf16, #tpu.memory_space<vmem_shared>> -> memref<256x64xbf16, #tpu.memory_space<vmem_shared>>
          tpu.enqueue_dma source(%arg8 : memref<256x64xbf16, #tpu.memory_space<vmem>>) target(%dma_start3A_654 : memref<256x64xbf16, #tpu.memory_space<vmem_shared>>) target_semaphore(%run_scoped3A_650 : memref<!tpu.dma_semaphore, #tpu.memory_space<semaphore_mem>>)
          %dma_wait3A_655 = arith.constant 0 : i32
          %dma_wait3A_656 = tpu.memref_slice %arg9[%mul3A_0, %dma_wait3A_655] : memref<4096x64xbf16, #tpu.memory_space<vmem_shared>> -> memref<256x64xbf16, #tpu.memory_space<vmem_shared>>
          %dma_wait3A_657 = arith.constant 0 : i32
          %dma_wait3A_658 = tpu.memref_slice %arg9[%mul3A_0, %dma_wait3A_657] : memref<4096x64xbf16, #tpu.memory_space<vmem_shared>> -> memref<256x64xbf16, #tpu.memory_space<vmem_shared>>
          tpu.wait_dma2 semaphore(%run_scoped3A_650 : memref<!tpu.dma_semaphore, #tpu.memory_space<semaphore_mem>>) src(%arg8 : memref<256x64xbf16, #tpu.memory_space<vmem>>) dst(%dma_wait3A_658 : memref<256x64xbf16, #tpu.memory_space<vmem_shared>>)
          tpu.yield
        }) : () -> ()
        %dma_wait3A_339 = arith.constant 0 : i32
        %dma_wait3A_340 = arith.constant 0 : i32
        %dma_wait3A_341 = arith.constant 0 : i32
        %dma_wait3A_342 = tpu.memref_slice %arg7[%dma_wait3A_340, %dma_wait3A_341] : memref<1024x64xbf16, #tpu.memory_space<vmem>> -> memref<128x64xbf16, #tpu.memory_space<vmem>>
        %dma_wait3A_343 = arith.constant 0 : i32
        %dma_wait3A_344 = tpu.memref_slice %arg5[%dma_wait3A_339, %dma_wait3A_343] : memref<8x128xi32, #tpu.memory_space<vmem>> -> memref<1x128xi32, #tpu.memory_space<vmem>>
        %dma_wait3A_345 = tpu.memref_squeeze %dma_wait3A_344 : memref<1x128xi32, #tpu.memory_space<vmem>> -> memref<128xi32, #tpu.memory_space<vmem>>
        %dma_wait3A_346 = arith.constant 0 : i32
        %dma_wait3A_347 = arith.constant 0 : i32
        %dma_wait3A_348 = tpu.memref_slice %arg2[%dma_wait3A_346, %dma_wait3A_347] : memref<4096x64xbf16, #tpu.memory_space<hbm>> -> memref<4096x64xbf16, #tpu.memory_space<hbm>>
        tpu.wait_indirect_dma semaphore(%arg10 : memref<!tpu.dma_semaphore, #tpu.memory_space<semaphore_mem>>) src(%dma_wait3A_348 : memref<4096x64xbf16, #tpu.memory_space<hbm>>) dst(%dma_wait3A_342 : memref<128x64xbf16, #tpu.memory_space<vmem>>)
        %dma_wait3A_349 = arith.constant 1 : i32
        %dma_wait3A_350 = arith.constant 128 : i32
        %dma_wait3A_351 = arith.constant 0 : i32
        %dma_wait3A_352 = tpu.memref_slice %arg7[%dma_wait3A_350, %dma_wait3A_351] : memref<1024x64xbf16, #tpu.memory_space<vmem>> -> memref<128x64xbf16, #tpu.memory_space<vmem>>
        %dma_wait3A_353 = arith.constant 0 : i32
        %dma_wait3A_354 = tpu.memref_slice %arg5[%dma_wait3A_349, %dma_wait3A_353] : memref<8x128xi32, #tpu.memory_space<vmem>> -> memref<1x128xi32, #tpu.memory_space<vmem>>
        %dma_wait3A_355 = tpu.memref_squeeze %dma_wait3A_354 : memref<1x128xi32, #tpu.memory_space<vmem>> -> memref<128xi32, #tpu.memory_space<vmem>>
        %dma_wait3A_356 = arith.constant 0 : i32
        %dma_wait3A_357 = arith.constant 0 : i32
        %dma_wait3A_358 = tpu.memref_slice %arg2[%dma_wait3A_356, %dma_wait3A_357] : memref<4096x64xbf16, #tpu.memory_space<hbm>> -> memref<4096x64xbf16, #tpu.memory_space<hbm>>
        tpu.wait_indirect_dma semaphore(%arg10 : memref<!tpu.dma_semaphore, #tpu.memory_space<semaphore_mem>>) src(%dma_wait3A_358 : memref<4096x64xbf16, #tpu.memory_space<hbm>>) dst(%dma_wait3A_352 : memref<128x64xbf16, #tpu.memory_space<vmem>>)
        %dma_wait3A_359 = arith.constant 2 : i32
        %dma_wait3A_360 = arith.constant 256 : i32
        %dma_wait3A_361 = arith.constant 0 : i32
        %dma_wait3A_362 = tpu.memref_slice %arg7[%dma_wait3A_360, %dma_wait3A_361] : memref<1024x64xbf16, #tpu.memory_space<vmem>> -> memref<128x64xbf16, #tpu.memory_space<vmem>>
        %dma_wait3A_363 = arith.constant 0 : i32
        %dma_wait3A_364 = tpu.memref_slice %arg5[%dma_wait3A_359, %dma_wait3A_363] : memref<8x128xi32, #tpu.memory_space<vmem>> -> memref<1x128xi32, #tpu.memory_space<vmem>>
        %dma_wait3A_365 = tpu.memref_squeeze %dma_wait3A_364 : memref<1x128xi32, #tpu.memory_space<vmem>> -> memref<128xi32, #tpu.memory_space<vmem>>
        %dma_wait3A_366 = arith.constant 0 : i32
        %dma_wait3A_367 = arith.constant 0 : i32
        %dma_wait3A_368 = tpu.memref_slice %arg2[%dma_wait3A_366, %dma_wait3A_367] : memref<4096x64xbf16, #tpu.memory_space<hbm>> -> memref<4096x64xbf16, #tpu.memory_space<hbm>>
        tpu.wait_indirect_dma semaphore(%arg10 : memref<!tpu.dma_semaphore, #tpu.memory_space<semaphore_mem>>) src(%dma_wait3A_368 : memref<4096x64xbf16, #tpu.memory_space<hbm>>) dst(%dma_wait3A_362 : memref<128x64xbf16, #tpu.memory_space<vmem>>)
        %dma_wait3A_369 = arith.constant 3 : i32
        %dma_wait3A_370 = arith.constant 384 : i32
        %dma_wait3A_371 = arith.constant 0 : i32
        %dma_wait3A_372 = tpu.memref_slice %arg7[%dma_wait3A_370, %dma_wait3A_371] : memref<1024x64xbf16, #tpu.memory_space<vmem>> -> memref<128x64xbf16, #tpu.memory_space<vmem>>
        %dma_wait3A_373 = arith.constant 0 : i32
        %dma_wait3A_374 = tpu.memref_slice %arg5[%dma_wait3A_369, %dma_wait3A_373] : memref<8x128xi32, #tpu.memory_space<vmem>> -> memref<1x128xi32, #tpu.memory_space<vmem>>
        %dma_wait3A_375 = tpu.memref_squeeze %dma_wait3A_374 : memref<1x128xi32, #tpu.memory_space<vmem>> -> memref<128xi32, #tpu.memory_space<vmem>>
        %dma_wait3A_376 = arith.constant 0 : i32
        %dma_wait3A_377 = arith.constant 0 : i32
        %dma_wait3A_378 = tpu.memref_slice %arg2[%dma_wait3A_376, %dma_wait3A_377] : memref<4096x64xbf16, #tpu.memory_space<hbm>> -> memref<4096x64xbf16, #tpu.memory_space<hbm>>
        tpu.wait_indirect_dma semaphore(%arg10 : memref<!tpu.dma_semaphore, #tpu.memory_space<semaphore_mem>>) src(%dma_wait3A_378 : memref<4096x64xbf16, #tpu.memory_space<hbm>>) dst(%dma_wait3A_372 : memref<128x64xbf16, #tpu.memory_space<vmem>>)
        %dma_wait3A_379 = arith.constant 4 : i32
        %dma_wait3A_380 = arith.constant 512 : i32
        %dma_wait3A_381 = arith.constant 0 : i32
        %dma_wait3A_382 = tpu.memref_slice %arg7[%dma_wait3A_380, %dma_wait3A_381] : memref<1024x64xbf16, #tpu.memory_space<vmem>> -> memref<128x64xbf16, #tpu.memory_space<vmem>>
        %dma_wait3A_383 = arith.constant 0 : i32
        %dma_wait3A_384 = tpu.memref_slice %arg5[%dma_wait3A_379, %dma_wait3A_383] : memref<8x128xi32, #tpu.memory_space<vmem>> -> memref<1x128xi32, #tpu.memory_space<vmem>>
        %dma_wait3A_385 = tpu.memref_squeeze %dma_wait3A_384 : memref<1x128xi32, #tpu.memory_space<vmem>> -> memref<128xi32, #tpu.memory_space<vmem>>
        %dma_wait3A_386 = arith.constant 0 : i32
        %dma_wait3A_387 = arith.constant 0 : i32
        %dma_wait3A_388 = tpu.memref_slice %arg2[%dma_wait3A_386, %dma_wait3A_387] : memref<4096x64xbf16, #tpu.memory_space<hbm>> -> memref<4096x64xbf16, #tpu.memory_space<hbm>>
        tpu.wait_indirect_dma semaphore(%arg10 : memref<!tpu.dma_semaphore, #tpu.memory_space<semaphore_mem>>) src(%dma_wait3A_388 : memref<4096x64xbf16, #tpu.memory_space<hbm>>) dst(%dma_wait3A_382 : memref<128x64xbf16, #tpu.memory_space<vmem>>)
        %dma_wait3A_389 = arith.constant 5 : i32
        %dma_wait3A_390 = arith.constant 640 : i32
        %dma_wait3A_391 = arith.constant 0 : i32
        %dma_wait3A_392 = tpu.memref_slice %arg7[%dma_wait3A_390, %dma_wait3A_391] : memref<1024x64xbf16, #tpu.memory_space<vmem>> -> memref<128x64xbf16, #tpu.memory_space<vmem>>
        %dma_wait3A_393 = arith.constant 0 : i32
        %dma_wait3A_394 = tpu.memref_slice %arg5[%dma_wait3A_389, %dma_wait3A_393] : memref<8x128xi32, #tpu.memory_space<vmem>> -> memref<1x128xi32, #tpu.memory_space<vmem>>
        %dma_wait3A_395 = tpu.memref_squeeze %dma_wait3A_394 : memref<1x128xi32, #tpu.memory_space<vmem>> -> memref<128xi32, #tpu.memory_space<vmem>>
        %dma_wait3A_396 = arith.constant 0 : i32
        %dma_wait3A_397 = arith.constant 0 : i32
        %dma_wait3A_398 = tpu.memref_slice %arg2[%dma_wait3A_396, %dma_wait3A_397] : memref<4096x64xbf16, #tpu.memory_space<hbm>> -> memref<4096x64xbf16, #tpu.memory_space<hbm>>
        tpu.wait_indirect_dma semaphore(%arg10 : memref<!tpu.dma_semaphore, #tpu.memory_space<semaphore_mem>>) src(%dma_wait3A_398 : memref<4096x64xbf16, #tpu.memory_space<hbm>>) dst(%dma_wait3A_392 : memref<128x64xbf16, #tpu.memory_space<vmem>>)
        %dma_wait3A_399 = arith.constant 6 : i32
        %dma_wait3A_400 = arith.constant 768 : i32
        %dma_wait3A_401 = arith.constant 0 : i32
        %dma_wait3A_402 = tpu.memref_slice %arg7[%dma_wait3A_400, %dma_wait3A_401] : memref<1024x64xbf16, #tpu.memory_space<vmem>> -> memref<128x64xbf16, #tpu.memory_space<vmem>>
        %dma_wait3A_403 = arith.constant 0 : i32
        %dma_wait3A_404 = tpu.memref_slice %arg5[%dma_wait3A_399, %dma_wait3A_403] : memref<8x128xi32, #tpu.memory_space<vmem>> -> memref<1x128xi32, #tpu.memory_space<vmem>>
        %dma_wait3A_405 = tpu.memref_squeeze %dma_wait3A_404 : memref<1x128xi32, #tpu.memory_space<vmem>> -> memref<128xi32, #tpu.memory_space<vmem>>
        %dma_wait3A_406 = arith.constant 0 : i32
        %dma_wait3A_407 = arith.constant 0 : i32
        %dma_wait3A_408 = tpu.memref_slice %arg2[%dma_wait3A_406, %dma_wait3A_407] : memref<4096x64xbf16, #tpu.memory_space<hbm>> -> memref<4096x64xbf16, #tpu.memory_space<hbm>>
        tpu.wait_indirect_dma semaphore(%arg10 : memref<!tpu.dma_semaphore, #tpu.memory_space<semaphore_mem>>) src(%dma_wait3A_408 : memref<4096x64xbf16, #tpu.memory_space<hbm>>) dst(%dma_wait3A_402 : memref<128x64xbf16, #tpu.memory_space<vmem>>)
        %dma_wait3A_409 = arith.constant 7 : i32
        %dma_wait3A_410 = arith.constant 896 : i32
        %dma_wait3A_411 = arith.constant 0 : i32
        %dma_wait3A_412 = tpu.memref_slice %arg7[%dma_wait3A_410, %dma_wait3A_411] : memref<1024x64xbf16, #tpu.memory_space<vmem>> -> memref<128x64xbf16, #tpu.memory_space<vmem>>
        %dma_wait3A_413 = arith.constant 0 : i32
        %dma_wait3A_414 = tpu.memref_slice %arg5[%dma_wait3A_409, %dma_wait3A_413] : memref<8x128xi32, #tpu.memory_space<vmem>> -> memref<1x128xi32, #tpu.memory_space<vmem>>
        %dma_wait3A_415 = tpu.memref_squeeze %dma_wait3A_414 : memref<1x128xi32, #tpu.memory_space<vmem>> -> memref<128xi32, #tpu.memory_space<vmem>>
        %dma_wait3A_416 = arith.constant 0 : i32
        %dma_wait3A_417 = arith.constant 0 : i32
        %dma_wait3A_418 = tpu.memref_slice %arg2[%dma_wait3A_416, %dma_wait3A_417] : memref<4096x64xbf16, #tpu.memory_space<hbm>> -> memref<4096x64xbf16, #tpu.memory_space<hbm>>
        tpu.wait_indirect_dma semaphore(%arg10 : memref<!tpu.dma_semaphore, #tpu.memory_space<semaphore_mem>>) src(%dma_wait3A_418 : memref<4096x64xbf16, #tpu.memory_space<hbm>>) dst(%dma_wait3A_412 : memref<128x64xbf16, #tpu.memory_space<vmem>>)
        %dma_start3A_419 = arith.constant 0 : i32
        %dma_start3A_420 = arith.constant 0 : i32
        %dma_start3A_421 = arith.constant 0 : i32
        %dma_start3A_422 = tpu.memref_slice %arg7[%dma_start3A_420, %dma_start3A_421] : memref<1024x64xbf16, #tpu.memory_space<vmem>> -> memref<128x64xbf16, #tpu.memory_space<vmem>>
        %dma_start3A_423 = arith.constant 0 : i32
        %dma_start3A_424 = tpu.memref_slice %arg6[%dma_start3A_419, %dma_start3A_423] : memref<2x128xi32, #tpu.memory_space<vmem>> -> memref<1x128xi32, #tpu.memory_space<vmem>>
        %dma_start3A_425 = tpu.memref_squeeze %dma_start3A_424 : memref<1x128xi32, #tpu.memory_space<vmem>> -> memref<128xi32, #tpu.memory_space<vmem>>
        %dma_start3A_426 = arith.constant 0 : i32
        %dma_start3A_427 = arith.constant 0 : i32
        %dma_start3A_428 = tpu.memref_slice %arg9[%dma_start3A_426, %dma_start3A_427] : memref<4096x64xbf16, #tpu.memory_space<vmem_shared>> -> memref<4096x64xbf16, #tpu.memory_space<vmem_shared>>
        tpu.enqueue_indirect_dma source(%dma_start3A_422 : memref<128x64xbf16, #tpu.memory_space<vmem>>) target(%dma_start3A_428 : memref<4096x64xbf16, #tpu.memory_space<vmem_shared>>) offsets(%dma_start3A_425 : memref<128xi32, #tpu.memory_space<vmem>>) semaphore(%arg10 : memref<!tpu.dma_semaphore, #tpu.memory_space<semaphore_mem>>) {add = true}
        %dma_start3A_429 = arith.constant 0 : i32
        %dma_start3A_430 = arith.constant 128 : i32
        %dma_start3A_431 = arith.constant 0 : i32
        %dma_start3A_432 = tpu.memref_slice %arg7[%dma_start3A_430, %dma_start3A_431] : memref<1024x64xbf16, #tpu.memory_space<vmem>> -> memref<128x64xbf16, #tpu.memory_space<vmem>>
        %dma_start3A_433 = arith.constant 0 : i32
        %dma_start3A_434 = tpu.memref_slice %arg6[%dma_start3A_429, %dma_start3A_433] : memref<2x128xi32, #tpu.memory_space<vmem>> -> memref<1x128xi32, #tpu.memory_space<vmem>>
        %dma_start3A_435 = tpu.memref_squeeze %dma_start3A_434 : memref<1x128xi32, #tpu.memory_space<vmem>> -> memref<128xi32, #tpu.memory_space<vmem>>
        %dma_start3A_436 = arith.constant 0 : i32
        %dma_start3A_437 = arith.constant 0 : i32
        %dma_start3A_438 = tpu.memref_slice %arg9[%dma_start3A_436, %dma_start3A_437] : memref<4096x64xbf16, #tpu.memory_space<vmem_shared>> -> memref<4096x64xbf16, #tpu.memory_space<vmem_shared>>
        tpu.enqueue_indirect_dma source(%dma_start3A_432 : memref<128x64xbf16, #tpu.memory_space<vmem>>) target(%dma_start3A_438 : memref<4096x64xbf16, #tpu.memory_space<vmem_shared>>) offsets(%dma_start3A_435 : memref<128xi32, #tpu.memory_space<vmem>>) semaphore(%arg10 : memref<!tpu.dma_semaphore, #tpu.memory_space<semaphore_mem>>) {add = true}
        %dma_start3A_439 = arith.constant 0 : i32
        %dma_start3A_440 = arith.constant 256 : i32
        %dma_start3A_441 = arith.constant 0 : i32
        %dma_start3A_442 = tpu.memref_slice %arg7[%dma_start3A_440, %dma_start3A_441] : memref<1024x64xbf16, #tpu.memory_space<vmem>> -> memref<128x64xbf16, #tpu.memory_space<vmem>>
        %dma_start3A_443 = arith.constant 0 : i32
        %dma_start3A_444 = tpu.memref_slice %arg6[%dma_start3A_439, %dma_start3A_443] : memref<2x128xi32, #tpu.memory_space<vmem>> -> memref<1x128xi32, #tpu.memory_space<vmem>>
        %dma_start3A_445 = tpu.memref_squeeze %dma_start3A_444 : memref<1x128xi32, #tpu.memory_space<vmem>> -> memref<128xi32, #tpu.memory_space<vmem>>
        %dma_start3A_446 = arith.constant 0 : i32
        %dma_start3A_447 = arith.constant 0 : i32
        %dma_start3A_448 = tpu.memref_slice %arg9[%dma_start3A_446, %dma_start3A_447] : memref<4096x64xbf16, #tpu.memory_space<vmem_shared>> -> memref<4096x64xbf16, #tpu.memory_space<vmem_shared>>
        tpu.enqueue_indirect_dma source(%dma_start3A_442 : memref<128x64xbf16, #tpu.memory_space<vmem>>) target(%dma_start3A_448 : memref<4096x64xbf16, #tpu.memory_space<vmem_shared>>) offsets(%dma_start3A_445 : memref<128xi32, #tpu.memory_space<vmem>>) semaphore(%arg10 : memref<!tpu.dma_semaphore, #tpu.memory_space<semaphore_mem>>) {add = true}
        %dma_start3A_449 = arith.constant 0 : i32
        %dma_start3A_450 = arith.constant 384 : i32
        %dma_start3A_451 = arith.constant 0 : i32
        %dma_start3A_452 = tpu.memref_slice %arg7[%dma_start3A_450, %dma_start3A_451] : memref<1024x64xbf16, #tpu.memory_space<vmem>> -> memref<128x64xbf16, #tpu.memory_space<vmem>>
        %dma_start3A_453 = arith.constant 0 : i32
        %dma_start3A_454 = tpu.memref_slice %arg6[%dma_start3A_449, %dma_start3A_453] : memref<2x128xi32, #tpu.memory_space<vmem>> -> memref<1x128xi32, #tpu.memory_space<vmem>>
        %dma_start3A_455 = tpu.memref_squeeze %dma_start3A_454 : memref<1x128xi32, #tpu.memory_space<vmem>> -> memref<128xi32, #tpu.memory_space<vmem>>
        %dma_start3A_456 = arith.constant 0 : i32
        %dma_start3A_457 = arith.constant 0 : i32
        %dma_start3A_458 = tpu.memref_slice %arg9[%dma_start3A_456, %dma_start3A_457] : memref<4096x64xbf16, #tpu.memory_space<vmem_shared>> -> memref<4096x64xbf16, #tpu.memory_space<vmem_shared>>
        tpu.enqueue_indirect_dma source(%dma_start3A_452 : memref<128x64xbf16, #tpu.memory_space<vmem>>) target(%dma_start3A_458 : memref<4096x64xbf16, #tpu.memory_space<vmem_shared>>) offsets(%dma_start3A_455 : memref<128xi32, #tpu.memory_space<vmem>>) semaphore(%arg10 : memref<!tpu.dma_semaphore, #tpu.memory_space<semaphore_mem>>) {add = true}
        %dma_start3A_459 = arith.constant 1 : i32
        %dma_start3A_460 = arith.constant 512 : i32
        %dma_start3A_461 = arith.constant 0 : i32
        %dma_start3A_462 = tpu.memref_slice %arg7[%dma_start3A_460, %dma_start3A_461] : memref<1024x64xbf16, #tpu.memory_space<vmem>> -> memref<128x64xbf16, #tpu.memory_space<vmem>>
        %dma_start3A_463 = arith.constant 0 : i32
        %dma_start3A_464 = tpu.memref_slice %arg6[%dma_start3A_459, %dma_start3A_463] : memref<2x128xi32, #tpu.memory_space<vmem>> -> memref<1x128xi32, #tpu.memory_space<vmem>>
        %dma_start3A_465 = tpu.memref_squeeze %dma_start3A_464 : memref<1x128xi32, #tpu.memory_space<vmem>> -> memref<128xi32, #tpu.memory_space<vmem>>
        %dma_start3A_466 = arith.constant 0 : i32
        %dma_start3A_467 = arith.constant 0 : i32
        %dma_start3A_468 = tpu.memref_slice %arg9[%dma_start3A_466, %dma_start3A_467] : memref<4096x64xbf16, #tpu.memory_space<vmem_shared>> -> memref<4096x64xbf16, #tpu.memory_space<vmem_shared>>
        tpu.enqueue_indirect_dma source(%dma_start3A_462 : memref<128x64xbf16, #tpu.memory_space<vmem>>) target(%dma_start3A_468 : memref<4096x64xbf16, #tpu.memory_space<vmem_shared>>) offsets(%dma_start3A_465 : memref<128xi32, #tpu.memory_space<vmem>>) semaphore(%arg10 : memref<!tpu.dma_semaphore, #tpu.memory_space<semaphore_mem>>) {add = true}
        %dma_start3A_469 = arith.constant 1 : i32
        %dma_start3A_470 = arith.constant 640 : i32
        %dma_start3A_471 = arith.constant 0 : i32
        %dma_start3A_472 = tpu.memref_slice %arg7[%dma_start3A_470, %dma_start3A_471] : memref<1024x64xbf16, #tpu.memory_space<vmem>> -> memref<128x64xbf16, #tpu.memory_space<vmem>>
        %dma_start3A_473 = arith.constant 0 : i32
        %dma_start3A_474 = tpu.memref_slice %arg6[%dma_start3A_469, %dma_start3A_473] : memref<2x128xi32, #tpu.memory_space<vmem>> -> memref<1x128xi32, #tpu.memory_space<vmem>>
        %dma_start3A_475 = tpu.memref_squeeze %dma_start3A_474 : memref<1x128xi32, #tpu.memory_space<vmem>> -> memref<128xi32, #tpu.memory_space<vmem>>
        %dma_start3A_476 = arith.constant 0 : i32
        %dma_start3A_477 = arith.constant 0 : i32
        %dma_start3A_478 = tpu.memref_slice %arg9[%dma_start3A_476, %dma_start3A_477] : memref<4096x64xbf16, #tpu.memory_space<vmem_shared>> -> memref<4096x64xbf16, #tpu.memory_space<vmem_shared>>
        tpu.enqueue_indirect_dma source(%dma_start3A_472 : memref<128x64xbf16, #tpu.memory_space<vmem>>) target(%dma_start3A_478 : memref<4096x64xbf16, #tpu.memory_space<vmem_shared>>) offsets(%dma_start3A_475 : memref<128xi32, #tpu.memory_space<vmem>>) semaphore(%arg10 : memref<!tpu.dma_semaphore, #tpu.memory_space<semaphore_mem>>) {add = true}
        %dma_start3A_479 = arith.constant 1 : i32
        %dma_start3A_480 = arith.constant 768 : i32
        %dma_start3A_481 = arith.constant 0 : i32
        %dma_start3A_482 = tpu.memref_slice %arg7[%dma_start3A_480, %dma_start3A_481] : memref<1024x64xbf16, #tpu.memory_space<vmem>> -> memref<128x64xbf16, #tpu.memory_space<vmem>>
        %dma_start3A_483 = arith.constant 0 : i32
        %dma_start3A_484 = tpu.memref_slice %arg6[%dma_start3A_479, %dma_start3A_483] : memref<2x128xi32, #tpu.memory_space<vmem>> -> memref<1x128xi32, #tpu.memory_space<vmem>>
        %dma_start3A_485 = tpu.memref_squeeze %dma_start3A_484 : memref<1x128xi32, #tpu.memory_space<vmem>> -> memref<128xi32, #tpu.memory_space<vmem>>
        %dma_start3A_486 = arith.constant 0 : i32
        %dma_start3A_487 = arith.constant 0 : i32
        %dma_start3A_488 = tpu.memref_slice %arg9[%dma_start3A_486, %dma_start3A_487] : memref<4096x64xbf16, #tpu.memory_space<vmem_shared>> -> memref<4096x64xbf16, #tpu.memory_space<vmem_shared>>
        tpu.enqueue_indirect_dma source(%dma_start3A_482 : memref<128x64xbf16, #tpu.memory_space<vmem>>) target(%dma_start3A_488 : memref<4096x64xbf16, #tpu.memory_space<vmem_shared>>) offsets(%dma_start3A_485 : memref<128xi32, #tpu.memory_space<vmem>>) semaphore(%arg10 : memref<!tpu.dma_semaphore, #tpu.memory_space<semaphore_mem>>) {add = true}
        %dma_start3A_489 = arith.constant 1 : i32
        %dma_start3A_490 = arith.constant 896 : i32
        %dma_start3A_491 = arith.constant 0 : i32
        %dma_start3A_492 = tpu.memref_slice %arg7[%dma_start3A_490, %dma_start3A_491] : memref<1024x64xbf16, #tpu.memory_space<vmem>> -> memref<128x64xbf16, #tpu.memory_space<vmem>>
        %dma_start3A_493 = arith.constant 0 : i32
        %dma_start3A_494 = tpu.memref_slice %arg6[%dma_start3A_489, %dma_start3A_493] : memref<2x128xi32, #tpu.memory_space<vmem>> -> memref<1x128xi32, #tpu.memory_space<vmem>>
        %dma_start3A_495 = tpu.memref_squeeze %dma_start3A_494 : memref<1x128xi32, #tpu.memory_space<vmem>> -> memref<128xi32, #tpu.memory_space<vmem>>
        %dma_start3A_496 = arith.constant 0 : i32
        %dma_start3A_497 = arith.constant 0 : i32
        %dma_start3A_498 = tpu.memref_slice %arg9[%dma_start3A_496, %dma_start3A_497] : memref<4096x64xbf16, #tpu.memory_space<vmem_shared>> -> memref<4096x64xbf16, #tpu.memory_space<vmem_shared>>
        tpu.enqueue_indirect_dma source(%dma_start3A_492 : memref<128x64xbf16, #tpu.memory_space<vmem>>) target(%dma_start3A_498 : memref<4096x64xbf16, #tpu.memory_space<vmem_shared>>) offsets(%dma_start3A_495 : memref<128xi32, #tpu.memory_space<vmem>>) semaphore(%arg10 : memref<!tpu.dma_semaphore, #tpu.memory_space<semaphore_mem>>) {add = true}
        %dma_wait3A_499 = arith.constant 0 : i32
        %dma_wait3A_500 = arith.constant 0 : i32
        %dma_wait3A_501 = arith.constant 0 : i32
        %dma_wait3A_502 = tpu.memref_slice %arg7[%dma_wait3A_500, %dma_wait3A_501] : memref<1024x64xbf16, #tpu.memory_space<vmem>> -> memref<128x64xbf16, #tpu.memory_space<vmem>>
        %dma_wait3A_503 = arith.constant 0 : i32
        %dma_wait3A_504 = tpu.memref_slice %arg6[%dma_wait3A_499, %dma_wait3A_503] : memref<2x128xi32, #tpu.memory_space<vmem>> -> memref<1x128xi32, #tpu.memory_space<vmem>>
        %dma_wait3A_505 = tpu.memref_squeeze %dma_wait3A_504 : memref<1x128xi32, #tpu.memory_space<vmem>> -> memref<128xi32, #tpu.memory_space<vmem>>
        %dma_wait3A_506 = arith.constant 0 : i32
        %dma_wait3A_507 = arith.constant 0 : i32
        %dma_wait3A_508 = tpu.memref_slice %arg9[%dma_wait3A_506, %dma_wait3A_507] : memref<4096x64xbf16, #tpu.memory_space<vmem_shared>> -> memref<4096x64xbf16, #tpu.memory_space<vmem_shared>>
        tpu.wait_indirect_dma semaphore(%arg10 : memref<!tpu.dma_semaphore, #tpu.memory_space<semaphore_mem>>) src(%dma_wait3A_502 : memref<128x64xbf16, #tpu.memory_space<vmem>>) dst(%dma_wait3A_508 : memref<4096x64xbf16, #tpu.memory_space<vmem_shared>>)
        %dma_wait3A_509 = arith.constant 0 : i32
        %dma_wait3A_510 = arith.constant 128 : i32
        %dma_wait3A_511 = arith.constant 0 : i32
        %dma_wait3A_512 = tpu.memref_slice %arg7[%dma_wait3A_510, %dma_wait3A_511] : memref<1024x64xbf16, #tpu.memory_space<vmem>> -> memref<128x64xbf16, #tpu.memory_space<vmem>>
        %dma_wait3A_513 = arith.constant 0 : i32
        %dma_wait3A_514 = tpu.memref_slice %arg6[%dma_wait3A_509, %dma_wait3A_513] : memref<2x128xi32, #tpu.memory_space<vmem>> -> memref<1x128xi32, #tpu.memory_space<vmem>>
        %dma_wait3A_515 = tpu.memref_squeeze %dma_wait3A_514 : memref<1x128xi32, #tpu.memory_space<vmem>> -> memref<128xi32, #tpu.memory_space<vmem>>
        %dma_wait3A_516 = arith.constant 0 : i32
        %dma_wait3A_517 = arith.constant 0 : i32
        %dma_wait3A_518 = tpu.memref_slice %arg9[%dma_wait3A_516, %dma_wait3A_517] : memref<4096x64xbf16, #tpu.memory_space<vmem_shared>> -> memref<4096x64xbf16, #tpu.memory_space<vmem_shared>>
        tpu.wait_indirect_dma semaphore(%arg10 : memref<!tpu.dma_semaphore, #tpu.memory_space<semaphore_mem>>) src(%dma_wait3A_512 : memref<128x64xbf16, #tpu.memory_space<vmem>>) dst(%dma_wait3A_518 : memref<4096x64xbf16, #tpu.memory_space<vmem_shared>>)
        %dma_wait3A_519 = arith.constant 0 : i32
        %dma_wait3A_520 = arith.constant 256 : i32
        %dma_wait3A_521 = arith.constant 0 : i32
        %dma_wait3A_522 = tpu.memref_slice %arg7[%dma_wait3A_520, %dma_wait3A_521] : memref<1024x64xbf16, #tpu.memory_space<vmem>> -> memref<128x64xbf16, #tpu.memory_space<vmem>>
        %dma_wait3A_523 = arith.constant 0 : i32
        %dma_wait3A_524 = tpu.memref_slice %arg6[%dma_wait3A_519, %dma_wait3A_523] : memref<2x128xi32, #tpu.memory_space<vmem>> -> memref<1x128xi32, #tpu.memory_space<vmem>>
        %dma_wait3A_525 = tpu.memref_squeeze %dma_wait3A_524 : memref<1x128xi32, #tpu.memory_space<vmem>> -> memref<128xi32, #tpu.memory_space<vmem>>
        %dma_wait3A_526 = arith.constant 0 : i32
        %dma_wait3A_527 = arith.constant 0 : i32
        %dma_wait3A_528 = tpu.memref_slice %arg9[%dma_wait3A_526, %dma_wait3A_527] : memref<4096x64xbf16, #tpu.memory_space<vmem_shared>> -> memref<4096x64xbf16, #tpu.memory_space<vmem_shared>>
        tpu.wait_indirect_dma semaphore(%arg10 : memref<!tpu.dma_semaphore, #tpu.memory_space<semaphore_mem>>) src(%dma_wait3A_522 : memref<128x64xbf16, #tpu.memory_space<vmem>>) dst(%dma_wait3A_528 : memref<4096x64xbf16, #tpu.memory_space<vmem_shared>>)
        %dma_wait3A_529 = arith.constant 0 : i32
        %dma_wait3A_530 = arith.constant 384 : i32
        %dma_wait3A_531 = arith.constant 0 : i32
        %dma_wait3A_532 = tpu.memref_slice %arg7[%dma_wait3A_530, %dma_wait3A_531] : memref<1024x64xbf16, #tpu.memory_space<vmem>> -> memref<128x64xbf16, #tpu.memory_space<vmem>>
        %dma_wait3A_533 = arith.constant 0 : i32
        %dma_wait3A_534 = tpu.memref_slice %arg6[%dma_wait3A_529, %dma_wait3A_533] : memref<2x128xi32, #tpu.memory_space<vmem>> -> memref<1x128xi32, #tpu.memory_space<vmem>>
        %dma_wait3A_535 = tpu.memref_squeeze %dma_wait3A_534 : memref<1x128xi32, #tpu.memory_space<vmem>> -> memref<128xi32, #tpu.memory_space<vmem>>
        %dma_wait3A_536 = arith.constant 0 : i32
        %dma_wait3A_537 = arith.constant 0 : i32
        %dma_wait3A_538 = tpu.memref_slice %arg9[%dma_wait3A_536, %dma_wait3A_537] : memref<4096x64xbf16, #tpu.memory_space<vmem_shared>> -> memref<4096x64xbf16, #tpu.memory_space<vmem_shared>>
        tpu.wait_indirect_dma semaphore(%arg10 : memref<!tpu.dma_semaphore, #tpu.memory_space<semaphore_mem>>) src(%dma_wait3A_532 : memref<128x64xbf16, #tpu.memory_space<vmem>>) dst(%dma_wait3A_538 : memref<4096x64xbf16, #tpu.memory_space<vmem_shared>>)
        %dma_wait3A_539 = arith.constant 1 : i32
        %dma_wait3A_540 = arith.constant 512 : i32
        %dma_wait3A_541 = arith.constant 0 : i32
        %dma_wait3A_542 = tpu.memref_slice %arg7[%dma_wait3A_540, %dma_wait3A_541] : memref<1024x64xbf16, #tpu.memory_space<vmem>> -> memref<128x64xbf16, #tpu.memory_space<vmem>>
        %dma_wait3A_543 = arith.constant 0 : i32
        %dma_wait3A_544 = tpu.memref_slice %arg6[%dma_wait3A_539, %dma_wait3A_543] : memref<2x128xi32, #tpu.memory_space<vmem>> -> memref<1x128xi32, #tpu.memory_space<vmem>>
        %dma_wait3A_545 = tpu.memref_squeeze %dma_wait3A_544 : memref<1x128xi32, #tpu.memory_space<vmem>> -> memref<128xi32, #tpu.memory_space<vmem>>
        %dma_wait3A_546 = arith.constant 0 : i32
        %dma_wait3A_547 = arith.constant 0 : i32
        %dma_wait3A_548 = tpu.memref_slice %arg9[%dma_wait3A_546, %dma_wait3A_547] : memref<4096x64xbf16, #tpu.memory_space<vmem_shared>> -> memref<4096x64xbf16, #tpu.memory_space<vmem_shared>>
        tpu.wait_indirect_dma semaphore(%arg10 : memref<!tpu.dma_semaphore, #tpu.memory_space<semaphore_mem>>) src(%dma_wait3A_542 : memref<128x64xbf16, #tpu.memory_space<vmem>>) dst(%dma_wait3A_548 : memref<4096x64xbf16, #tpu.memory_space<vmem_shared>>)
        %dma_wait3A_549 = arith.constant 1 : i32
        %dma_wait3A_550 = arith.constant 640 : i32
        %dma_wait3A_551 = arith.constant 0 : i32
        %dma_wait3A_552 = tpu.memref_slice %arg7[%dma_wait3A_550, %dma_wait3A_551] : memref<1024x64xbf16, #tpu.memory_space<vmem>> -> memref<128x64xbf16, #tpu.memory_space<vmem>>
        %dma_wait3A_553 = arith.constant 0 : i32
        %dma_wait3A_554 = tpu.memref_slice %arg6[%dma_wait3A_549, %dma_wait3A_553] : memref<2x128xi32, #tpu.memory_space<vmem>> -> memref<1x128xi32, #tpu.memory_space<vmem>>
        %dma_wait3A_555 = tpu.memref_squeeze %dma_wait3A_554 : memref<1x128xi32, #tpu.memory_space<vmem>> -> memref<128xi32, #tpu.memory_space<vmem>>
        %dma_wait3A_556 = arith.constant 0 : i32
        %dma_wait3A_557 = arith.constant 0 : i32
        %dma_wait3A_558 = tpu.memref_slice %arg9[%dma_wait3A_556, %dma_wait3A_557] : memref<4096x64xbf16, #tpu.memory_space<vmem_shared>> -> memref<4096x64xbf16, #tpu.memory_space<vmem_shared>>
        tpu.wait_indirect_dma semaphore(%arg10 : memref<!tpu.dma_semaphore, #tpu.memory_space<semaphore_mem>>) src(%dma_wait3A_552 : memref<128x64xbf16, #tpu.memory_space<vmem>>) dst(%dma_wait3A_558 : memref<4096x64xbf16, #tpu.memory_space<vmem_shared>>)
        %dma_wait3A_559 = arith.constant 1 : i32
        %dma_wait3A_560 = arith.constant 768 : i32
        %dma_wait3A_561 = arith.constant 0 : i32
        %dma_wait3A_562 = tpu.memref_slice %arg7[%dma_wait3A_560, %dma_wait3A_561] : memref<1024x64xbf16, #tpu.memory_space<vmem>> -> memref<128x64xbf16, #tpu.memory_space<vmem>>
        %dma_wait3A_563 = arith.constant 0 : i32
        %dma_wait3A_564 = tpu.memref_slice %arg6[%dma_wait3A_559, %dma_wait3A_563] : memref<2x128xi32, #tpu.memory_space<vmem>> -> memref<1x128xi32, #tpu.memory_space<vmem>>
        %dma_wait3A_565 = tpu.memref_squeeze %dma_wait3A_564 : memref<1x128xi32, #tpu.memory_space<vmem>> -> memref<128xi32, #tpu.memory_space<vmem>>
        %dma_wait3A_566 = arith.constant 0 : i32
        %dma_wait3A_567 = arith.constant 0 : i32
        %dma_wait3A_568 = tpu.memref_slice %arg9[%dma_wait3A_566, %dma_wait3A_567] : memref<4096x64xbf16, #tpu.memory_space<vmem_shared>> -> memref<4096x64xbf16, #tpu.memory_space<vmem_shared>>
        tpu.wait_indirect_dma semaphore(%arg10 : memref<!tpu.dma_semaphore, #tpu.memory_space<semaphore_mem>>) src(%dma_wait3A_562 : memref<128x64xbf16, #tpu.memory_space<vmem>>) dst(%dma_wait3A_568 : memref<4096x64xbf16, #tpu.memory_space<vmem_shared>>)
        %dma_wait3A_569 = arith.constant 1 : i32
        %dma_wait3A_570 = arith.constant 896 : i32
        %dma_wait3A_571 = arith.constant 0 : i32
        %dma_wait3A_572 = tpu.memref_slice %arg7[%dma_wait3A_570, %dma_wait3A_571] : memref<1024x64xbf16, #tpu.memory_space<vmem>> -> memref<128x64xbf16, #tpu.memory_space<vmem>>
        %dma_wait3A_573 = arith.constant 0 : i32
        %dma_wait3A_574 = tpu.memref_slice %arg6[%dma_wait3A_569, %dma_wait3A_573] : memref<2x128xi32, #tpu.memory_space<vmem>> -> memref<1x128xi32, #tpu.memory_space<vmem>>
        %dma_wait3A_575 = tpu.memref_squeeze %dma_wait3A_574 : memref<1x128xi32, #tpu.memory_space<vmem>> -> memref<128xi32, #tpu.memory_space<vmem>>
        %dma_wait3A_576 = arith.constant 0 : i32
        %dma_wait3A_577 = arith.constant 0 : i32
        %dma_wait3A_578 = tpu.memref_slice %arg9[%dma_wait3A_576, %dma_wait3A_577] : memref<4096x64xbf16, #tpu.memory_space<vmem_shared>> -> memref<4096x64xbf16, #tpu.memory_space<vmem_shared>>
        tpu.wait_indirect_dma semaphore(%arg10 : memref<!tpu.dma_semaphore, #tpu.memory_space<semaphore_mem>>) src(%dma_wait3A_572 : memref<128x64xbf16, #tpu.memory_space<vmem>>) dst(%dma_wait3A_578 : memref<4096x64xbf16, #tpu.memory_space<vmem_shared>>)
        "tpu.region"() ({
          %run_scoped3A_650 = tpu.sem_alloc : memref<!tpu.dma_semaphore, #tpu.memory_space<semaphore_mem>>
          %dma_start3A_651 = arith.constant 0 : i32
          %dma_start3A_652 = arith.constant 0 : i32
          %dma_start3A_653 = tpu.memref_slice %run_scoped3A_24[%rem3A_218, %dma_start3A_651, %dma_start3A_652] : memref<2x256x64xbf16, #tpu.memory_space<vmem>> -> memref<1x256x64xbf16, #tpu.memory_space<vmem>>
          %dma_start3A_654 = tpu.memref_squeeze %dma_start3A_653 : memref<1x256x64xbf16, #tpu.memory_space<vmem>> -> memref<256x64xbf16, #tpu.memory_space<vmem>>
          %dma_start3A_655 = arith.constant 0 : i32
          %dma_start3A_656 = tpu.memref_slice %arg9[%mul3A_0, %dma_start3A_655] : memref<4096x64xbf16, #tpu.memory_space<vmem_shared>> -> memref<256x64xbf16, #tpu.memory_space<vmem_shared>>
          %dma_start3A_657 = arith.constant 0 : i32
          %dma_start3A_658 = arith.constant 0 : i32
          %dma_start3A_659 = tpu.memref_slice %run_scoped3A_24[%rem3A_218, %dma_start3A_657, %dma_start3A_658] : memref<2x256x64xbf16, #tpu.memory_space<vmem>> -> memref<1x256x64xbf16, #tpu.memory_space<vmem>>
          %dma_start3A_660 = tpu.memref_squeeze %dma_start3A_659 : memref<1x256x64xbf16, #tpu.memory_space<vmem>> -> memref<256x64xbf16, #tpu.memory_space<vmem>>
          %dma_start3A_661 = arith.constant 0 : i32
          %dma_start3A_662 = tpu.memref_slice %arg9[%mul3A_0, %dma_start3A_661] : memref<4096x64xbf16, #tpu.memory_space<vmem_shared>> -> memref<256x64xbf16, #tpu.memory_space<vmem_shared>>
          tpu.enqueue_dma source(%dma_start3A_662 : memref<256x64xbf16, #tpu.memory_space<vmem_shared>>) target(%dma_start3A_660 : memref<256x64xbf16, #tpu.memory_space<vmem>>) target_semaphore(%run_scoped3A_650 : memref<!tpu.dma_semaphore, #tpu.memory_space<semaphore_mem>>)
          %dma_wait3A_663 = arith.constant 0 : i32
          %dma_wait3A_664 = arith.constant 0 : i32
          %dma_wait3A_665 = tpu.memref_slice %run_scoped3A_24[%rem3A_218, %dma_wait3A_663, %dma_wait3A_664] : memref<2x256x64xbf16, #tpu.memory_space<vmem>> -> memref<1x256x64xbf16, #tpu.memory_space<vmem>>
          %dma_wait3A_666 = tpu.memref_squeeze %dma_wait3A_665 : memref<1x256x64xbf16, #tpu.memory_space<vmem>> -> memref<256x64xbf16, #tpu.memory_space<vmem>>
          %dma_wait3A_667 = arith.constant 0 : i32
          %dma_wait3A_668 = tpu.memref_slice %arg9[%mul3A_0, %dma_wait3A_667] : memref<4096x64xbf16, #tpu.memory_space<vmem_shared>> -> memref<256x64xbf16, #tpu.memory_space<vmem_shared>>
          %dma_wait3A_669 = arith.constant 0 : i32
          %dma_wait3A_670 = arith.constant 0 : i32
          %dma_wait3A_671 = tpu.memref_slice %run_scoped3A_24[%rem3A_218, %dma_wait3A_669, %dma_wait3A_670] : memref<2x256x64xbf16, #tpu.memory_space<vmem>> -> memref<1x256x64xbf16, #tpu.memory_space<vmem>>
          %dma_wait3A_672 = tpu.memref_squeeze %dma_wait3A_671 : memref<1x256x64xbf16, #tpu.memory_space<vmem>> -> memref<256x64xbf16, #tpu.memory_space<vmem>>
          %dma_wait3A_673 = arith.constant 0 : i32
          %dma_wait3A_674 = tpu.memref_slice %arg9[%mul3A_0, %dma_wait3A_673] : memref<4096x64xbf16, #tpu.memory_space<vmem_shared>> -> memref<256x64xbf16, #tpu.memory_space<vmem_shared>>
          tpu.wait_dma2 semaphore(%run_scoped3A_650 : memref<!tpu.dma_semaphore, #tpu.memory_space<semaphore_mem>>) src(%dma_wait3A_674 : memref<256x64xbf16, #tpu.memory_space<vmem_shared>>) dst(%dma_wait3A_672 : memref<256x64xbf16, #tpu.memory_space<vmem>>)
          tpu.yield
        }) : () -> ()
        "tpu.trace_stop"() : () -> ()
        %ne3A_579 = arith.cmpi ne, %add3A_148, %add3A_166 : i32
        %or3A_580 = arith.constant false
        %or3A_581 = arith.ori %or3A_580, %ne3A_579 : i1
        %or3A_582 = arith.constant false
        %or3A_583 = arith.ori %or3A_581, %or3A_582 : i1
        %or3A_584 = arith.ori %or3A_583, %eq3A_147 : i1
        %convert_element_type3A_585 = arith.extui %or3A_584 : i1 to i32
        %cond3A_586 = arith.constant 0 : i32
        %cond3A_587 = arith.cmpi ne, %convert_element_type3A_585, %cond3A_586 : i32
        scf.if %cond3A_587 {
        } else {
        }
        %and3A_588 = arith.constant false
        %and3A_589 = arith.andi %or3A_584, %and3A_588 : i1
        %ne3A_590 = arith.cmpi ne, %add3A_148, %add3A_166 : i32
        %or3A_591 = arith.constant false
        %or3A_592 = arith.ori %or3A_591, %ne3A_590 : i1
        %or3A_593 = arith.constant false
        %or3A_594 = arith.ori %or3A_592, %or3A_593 : i1
        %or3A_595 = arith.ori %or3A_594, %eq3A_147 : i1
        %convert_element_type3A_596 = arith.extui %or3A_595 : i1 to i32
        %cond3A_597 = arith.constant 0 : i32
        %cond3A_598 = arith.cmpi ne, %convert_element_type3A_596, %cond3A_597 : i32
        scf.if %cond3A_598 {
          "tpu.trace_start"() <{level = 10 : i32, message = "ep_copy_out"}> : () -> ()
          %rem3A_650 = arith.constant 2 : i32
          %rem3A_651 = arith.remui %scan3A_141, %rem3A_650 : i32
          %mul3A_652 = arith.constant 256 : i32
          %mul3A_653 = arith.muli %mul3A_652, %add3A_148 : i32
          %dma_start3A_654 = arith.constant 0 : i32
          %dma_start3A_655 = arith.constant 0 : i32
          %dma_start3A_656 = tpu.memref_slice %run_scoped3A_24[%rem3A_651, %dma_start3A_654, %dma_start3A_655] : memref<2x256x64xbf16, #tpu.memory_space<vmem>> -> memref<1x256x64xbf16, #tpu.memory_space<vmem>>
          %dma_start3A_657 = tpu.memref_squeeze %dma_start3A_656 : memref<1x256x64xbf16, #tpu.memory_space<vmem>> -> memref<256x64xbf16, #tpu.memory_space<vmem>>
          %dma_start3A_658 = arith.constant 0 : i32
          %dma_start3A_659 = tpu.memref_slice %arg4[%mul3A_653, %dma_start3A_658] : memref<819200x64xbf16, #tpu.memory_space<hbm>> -> memref<256x64xbf16, #tpu.memory_space<hbm>>
          %dma_start3A_660 = tpu.memref_slice %run_scoped3A_25[%rem3A_651] : memref<2x!tpu.dma_semaphore, #tpu.memory_space<semaphore_mem>> -> memref<1x!tpu.dma_semaphore, #tpu.memory_space<semaphore_mem>>
          %dma_start3A_661 = tpu.memref_squeeze %dma_start3A_660 : memref<1x!tpu.dma_semaphore, #tpu.memory_space<semaphore_mem>> -> memref<!tpu.dma_semaphore, #tpu.memory_space<semaphore_mem>>
          %dma_start3A_662 = arith.constant 0 : i32
          %dma_start3A_663 = tpu.memref_slice %arg4[%mul3A_653, %dma_start3A_662] : memref<819200x64xbf16, #tpu.memory_space<hbm>> -> memref<256x64xbf16, #tpu.memory_space<hbm>>
          %dma_start3A_664 = arith.constant 0 : i32
          %dma_start3A_665 = arith.constant 0 : i32
          %dma_start3A_666 = tpu.memref_slice %run_scoped3A_24[%rem3A_651, %dma_start3A_664, %dma_start3A_665] : memref<2x256x64xbf16, #tpu.memory_space<vmem>> -> memref<1x256x64xbf16, #tpu.memory_space<vmem>>
          %dma_start3A_667 = tpu.memref_squeeze %dma_start3A_666 : memref<1x256x64xbf16, #tpu.memory_space<vmem>> -> memref<256x64xbf16, #tpu.memory_space<vmem>>
          tpu.enqueue_dma source(%dma_start3A_667 : memref<256x64xbf16, #tpu.memory_space<vmem>>) target(%dma_start3A_663 : memref<256x64xbf16, #tpu.memory_space<hbm>>) target_semaphore(%dma_start3A_661 : memref<!tpu.dma_semaphore, #tpu.memory_space<semaphore_mem>>)
          "tpu.trace_stop"() : () -> ()
        } else {
        }
        %and3A_599 = arith.constant true
        %and3A_600 = arith.andi %or3A_595, %and3A_599 : i1
        %add3A_601 = arith.constant 1 : i32
        %add3A_602 = arith.addi %scan3A_141, %add3A_601 : i32
        %select_n3A_603 = arith.select %and3A_600, %add3A_602, %scan3A_141 : i32
        %ne3A_604 = arith.cmpi ne, %add3A_148, %add3A_157 : i32
        %or3A_605 = arith.constant false
        %or3A_606 = arith.ori %or3A_605, %ne3A_604 : i1
        %or3A_607 = arith.constant false
        %or3A_608 = arith.ori %or3A_606, %or3A_607 : i1
        %not3A_609 = arith.constant true
        %not3A_610 = arith.xori %eq3A_145, %not3A_609 : i1
        %and3A_611 = arith.andi %or3A_608, %not3A_610 : i1
        %convert_element_type3A_612 = arith.extui %and3A_611 : i1 to i32
        %cond3A_613 = arith.constant 0 : i32
        %cond3A_614 = arith.cmpi ne, %convert_element_type3A_612, %cond3A_613 : i32
        scf.if %cond3A_614 {
        } else {
        }
        %and3A_615 = arith.constant false
        %and3A_616 = arith.andi %and3A_611, %and3A_615 : i1
        %ne3A_617 = arith.cmpi ne, %add3A_148, %add3A_157 : i32
        %or3A_618 = arith.constant false
        %or3A_619 = arith.ori %or3A_618, %ne3A_617 : i1
        %or3A_620 = arith.constant false
        %or3A_621 = arith.ori %or3A_619, %or3A_620 : i1
        %not3A_622 = arith.constant true
        %not3A_623 = arith.xori %eq3A_145, %not3A_622 : i1
        %and3A_624 = arith.andi %or3A_621, %not3A_623 : i1
        %convert_element_type3A_625 = arith.extui %and3A_624 : i1 to i32
        %cond3A_626 = arith.constant 0 : i32
        %cond3A_627 = arith.cmpi ne, %convert_element_type3A_625, %cond3A_626 : i32
        scf.if %cond3A_627 {
          "tpu.trace_start"() <{level = 10 : i32, message = "ep_wait_out"}> : () -> ()
          %rem3A_650 = arith.constant 2 : i32
          %rem3A_651 = arith.remui %scan3A_142, %rem3A_650 : i32
          %mul3A_652 = arith.constant 256 : i32
          %mul3A_653 = arith.muli %mul3A_652, %add3A_157 : i32
          %dma_wait3A_654 = arith.constant 0 : i32
          %dma_wait3A_655 = arith.constant 0 : i32
          %dma_wait3A_656 = tpu.memref_slice %run_scoped3A_24[%rem3A_651, %dma_wait3A_654, %dma_wait3A_655] : memref<2x256x64xbf16, #tpu.memory_space<vmem>> -> memref<1x256x64xbf16, #tpu.memory_space<vmem>>
          %dma_wait3A_657 = tpu.memref_squeeze %dma_wait3A_656 : memref<1x256x64xbf16, #tpu.memory_space<vmem>> -> memref<256x64xbf16, #tpu.memory_space<vmem>>
          %dma_wait3A_658 = arith.constant 0 : i32
          %dma_wait3A_659 = tpu.memref_slice %arg4[%mul3A_653, %dma_wait3A_658] : memref<819200x64xbf16, #tpu.memory_space<hbm>> -> memref<256x64xbf16, #tpu.memory_space<hbm>>
          %dma_wait3A_660 = tpu.memref_slice %run_scoped3A_25[%rem3A_651] : memref<2x!tpu.dma_semaphore, #tpu.memory_space<semaphore_mem>> -> memref<1x!tpu.dma_semaphore, #tpu.memory_space<semaphore_mem>>
          %dma_wait3A_661 = tpu.memref_squeeze %dma_wait3A_660 : memref<1x!tpu.dma_semaphore, #tpu.memory_space<semaphore_mem>> -> memref<!tpu.dma_semaphore, #tpu.memory_space<semaphore_mem>>
          %dma_wait3A_662 = arith.constant 0 : i32
          %dma_wait3A_663 = tpu.memref_slice %arg4[%mul3A_653, %dma_wait3A_662] : memref<819200x64xbf16, #tpu.memory_space<hbm>> -> memref<256x64xbf16, #tpu.memory_space<hbm>>
          %dma_wait3A_664 = arith.constant 0 : i32
          %dma_wait3A_665 = arith.constant 0 : i32
          %dma_wait3A_666 = tpu.memref_slice %run_scoped3A_24[%rem3A_651, %dma_wait3A_664, %dma_wait3A_665] : memref<2x256x64xbf16, #tpu.memory_space<vmem>> -> memref<1x256x64xbf16, #tpu.memory_space<vmem>>
          %dma_wait3A_667 = tpu.memref_squeeze %dma_wait3A_666 : memref<1x256x64xbf16, #tpu.memory_space<vmem>> -> memref<256x64xbf16, #tpu.memory_space<vmem>>
          tpu.wait_dma2 semaphore(%dma_wait3A_661 : memref<!tpu.dma_semaphore, #tpu.memory_space<semaphore_mem>>) src(%dma_wait3A_667 : memref<256x64xbf16, #tpu.memory_space<vmem>>) dst(%dma_wait3A_663 : memref<256x64xbf16, #tpu.memory_space<hbm>>)
          "tpu.trace_stop"() : () -> ()
        } else {
        }
        %and3A_628 = arith.constant true
        %and3A_629 = arith.andi %and3A_624, %and3A_628 : i1
        %add3A_630 = arith.constant 1 : i32
        %add3A_631 = arith.addi %scan3A_142, %add3A_630 : i32
        %select_n3A_632 = arith.select %and3A_629, %add3A_631, %scan3A_142 : i32
        %ne3A_633 = arith.cmpi ne, %add3A_148, %add3A_166 : i32
        %or3A_634 = arith.constant false
        %or3A_635 = arith.ori %or3A_634, %ne3A_633 : i1
        %or3A_636 = arith.constant false
        %or3A_637 = arith.ori %or3A_635, %or3A_636 : i1
        %or3A_638 = arith.ori %or3A_637, %eq3A_147 : i1
        %add3A_639 = arith.constant 1 : i32
        %add3A_640 = arith.addi %scan3A_140, %add3A_639 : i32
        %select_n3A_641 = arith.select %or3A_638, %add3A_640, %scan3A_140 : i32
        %add3A_642 = arith.constant 1 : i32
        %add3A_643 = arith.addi %scan3A_143, %add3A_642 : i32
        %select_n3A_644 = arith.constant true
        %select_n3A_645 = arith.select %select_n3A_644, %add3A_643, %scan3A_143 : i32
        %eq3A_646 = arith.constant 100 : i32
        %eq3A_647 = arith.cmpi eq, %select_n3A_645, %eq3A_646 : i32
        %select_n3A_648 = arith.constant 0 : i32
        %select_n3A_649 = arith.select %eq3A_647, %select_n3A_648, %select_n3A_645 : i32
        scf.yield %select_n3A_186, %select_n3A_641, %select_n3A_603, %select_n3A_632, %select_n3A_649 : i32, i32, i32, i32, i32
      }
      %scan3A_85 = arith.constant 100 : i32
      %sub3A = arith.constant 1 : i32
      %sub3A_86 = arith.subi %scan3A_84#4, %sub3A : i32
      %select_n3A_87 = arith.constant true
      %select_n3A_88 = arith.select %select_n3A_87, %sub3A_86, %scan3A_84#4 : i32
      %eq3A_89 = arith.constant -1 : i32
      %eq3A_90 = arith.cmpi eq, %select_n3A_88, %eq3A_89 : i32
      %select_n3A_91 = arith.constant 99 : i32
      %select_n3A_92 = arith.select %eq3A_90, %select_n3A_91, %select_n3A_88 : i32
      %add3A_93 = arith.addi %select_n3A_92, %mul3A_22 : i32
      %sub3A_94 = arith.constant 1 : i32
      %sub3A_95 = arith.subi %select_n3A_92, %sub3A_94 : i32
      %select_n3A_96 = arith.constant true
      %select_n3A_97 = arith.select %select_n3A_96, %sub3A_95, %select_n3A_92 : i32
      %eq3A_98 = arith.constant -1 : i32
      %eq3A_99 = arith.cmpi eq, %select_n3A_97, %eq3A_98 : i32
      %select_n3A_100 = arith.constant 99 : i32
      %select_n3A_101 = arith.select %eq3A_99, %select_n3A_100, %select_n3A_97 : i32
      %add3A_102 = arith.addi %select_n3A_101, %mul3A_22 : i32
      %add3A_103 = arith.constant 1 : i32
      %add3A_104 = arith.addi %select_n3A_92, %add3A_103 : i32
      %select_n3A_105 = arith.constant true
      %select_n3A_106 = arith.select %select_n3A_105, %add3A_104, %select_n3A_92 : i32
      %eq3A_107 = arith.constant 100 : i32
      %eq3A_108 = arith.cmpi eq, %select_n3A_106, %eq3A_107 : i32
      %select_n3A_109 = arith.constant 0 : i32
      %select_n3A_110 = arith.select %eq3A_108, %select_n3A_109, %select_n3A_106 : i32
      %add3A_111 = arith.addi %select_n3A_110, %mul3A_22 : i32
      %add3A_112 = arith.constant 1 : i32
      %add3A_113 = arith.addi %select_n3A_110, %add3A_112 : i32
      %select_n3A_114 = arith.constant true
      %select_n3A_115 = arith.select %select_n3A_114, %add3A_113, %select_n3A_110 : i32
      %eq3A_116 = arith.constant 100 : i32
      %eq3A_117 = arith.cmpi eq, %select_n3A_115, %eq3A_116 : i32
      %select_n3A_118 = arith.constant 0 : i32
      %select_n3A_119 = arith.select %eq3A_117, %select_n3A_118, %select_n3A_115 : i32
      %add3A_120 = arith.addi %select_n3A_119, %mul3A_22 : i32
      "tpu.trace_start"() <{level = 10 : i32, message = "ep_finalize"}> : () -> ()
      %rem3A_121 = arith.constant 2 : i32
      %rem3A_122 = arith.remui %scan3A_84#3, %rem3A_121 : i32
      %mul3A_123 = arith.constant 256 : i32
      %mul3A_124 = arith.muli %mul3A_123, %add3A_93 : i32
      %dma_wait3A = arith.constant 0 : i32
      %dma_wait3A_125 = arith.constant 0 : i32
      %dma_wait3A_126 = tpu.memref_slice %run_scoped3A_24[%rem3A_122, %dma_wait3A, %dma_wait3A_125] : memref<2x256x64xbf16, #tpu.memory_space<vmem>> -> memref<1x256x64xbf16, #tpu.memory_space<vmem>>
      %dma_wait3A_127 = tpu.memref_squeeze %dma_wait3A_126 : memref<1x256x64xbf16, #tpu.memory_space<vmem>> -> memref<256x64xbf16, #tpu.memory_space<vmem>>
      %dma_wait3A_128 = arith.constant 0 : i32
      %dma_wait3A_129 = tpu.memref_slice %arg4[%mul3A_124, %dma_wait3A_128] : memref<819200x64xbf16, #tpu.memory_space<hbm>> -> memref<256x64xbf16, #tpu.memory_space<hbm>>
      %dma_wait3A_130 = tpu.memref_slice %run_scoped3A_25[%rem3A_122] : memref<2x!tpu.dma_semaphore, #tpu.memory_space<semaphore_mem>> -> memref<1x!tpu.dma_semaphore, #tpu.memory_space<semaphore_mem>>
      %dma_wait3A_131 = tpu.memref_squeeze %dma_wait3A_130 : memref<1x!tpu.dma_semaphore, #tpu.memory_space<semaphore_mem>> -> memref<!tpu.dma_semaphore, #tpu.memory_space<semaphore_mem>>
      %dma_wait3A_132 = arith.constant 0 : i32
      %dma_wait3A_133 = tpu.memref_slice %arg4[%mul3A_124, %dma_wait3A_132] : memref<819200x64xbf16, #tpu.memory_space<hbm>> -> memref<256x64xbf16, #tpu.memory_space<hbm>>
      %dma_wait3A_134 = arith.constant 0 : i32
      %dma_wait3A_135 = arith.constant 0 : i32
      %dma_wait3A_136 = tpu.memref_slice %run_scoped3A_24[%rem3A_122, %dma_wait3A_134, %dma_wait3A_135] : memref<2x256x64xbf16, #tpu.memory_space<vmem>> -> memref<1x256x64xbf16, #tpu.memory_space<vmem>>
      %dma_wait3A_137 = tpu.memref_squeeze %dma_wait3A_136 : memref<1x256x64xbf16, #tpu.memory_space<vmem>> -> memref<256x64xbf16, #tpu.memory_space<vmem>>
      tpu.wait_dma2 semaphore(%dma_wait3A_131 : memref<!tpu.dma_semaphore, #tpu.memory_space<semaphore_mem>>) src(%dma_wait3A_137 : memref<256x64xbf16, #tpu.memory_space<vmem>>) dst(%dma_wait3A_133 : memref<256x64xbf16, #tpu.memory_space<hbm>>)
      "tpu.trace_stop"() : () -> ()
      tpu.yield
    }) : () -> ()
    return
  }
}

module attributes {stable_mosaic.version = 14 : i64} {
  func.func @body(%arg0: i32, %arg1: memref<1024x64xf32, #tpu.memory_space<vmem>>, %arg2: memref<64x64xf32, #tpu.memory_space<vmem>>, %arg3: memref<1024x64xbf16, #tpu.memory_space<vmem>>) attributes {dimension_semantics = [#tpu.dimension_semantics<arbitrary>], iteration_bounds = array<i64: 4>, scalar_prefetch = 0 : i64, scratch_operands = 0 : i64, tpu.core_type = #tpu.core_type<tc>, window_params = [{pipeline_mode = #tpu.pipeline_mode<synchronous>, transform_indices = @transform_0, window_bounds = array<i64: 1024, 64>}, {transform_indices = @transform_1, window_bounds = array<i64: 64, 64>}, {transform_indices = @transform_2, window_bounds = array<i64: 1024, 64>}]} {
    %get3A = arith.constant 0 : index
    %get3A_0 = arith.constant 0 : index
    %get3A_1 = vector.load %arg1[%get3A, %get3A_0] : memref<1024x64xf32, #tpu.memory_space<vmem>>, vector<1024x64xf32>
    %get3A_2 = arith.constant 0 : index
    %get3A_3 = arith.constant 0 : index
    %get3A_4 = vector.load %arg2[%get3A_2, %get3A_3] : memref<64x64xf32, #tpu.memory_space<vmem>>, vector<64x64xf32>
    %dot_general3A = arith.constant dense<0.000000e+00> : vector<1024x64xf32>
    %dot_general3A_5 = tpu.matmul %get3A_1, %get3A_4, %dot_general3A {dimension_numbers = #tpu.dot_dimension_numbers<[1], [0], [0], [1], [0, 0, 1, 1], [], []>, precision = #tpu.contract_precision<fp32>, transpose_lhs_hint = false} : vector<1024x64xf32>, vector<64x64xf32>, vector<1024x64xf32> -> vector<1024x64xf32>
    %convert_element_type3A = arith.truncf %dot_general3A_5 : vector<1024x64xf32> to vector<1024x64xbf16>
    %swap3A = arith.constant 0 : index
    %swap3A_6 = arith.constant 0 : index
    %swap3A_7 = vector.load %arg3[%swap3A, %swap3A_6] : memref<1024x64xbf16, #tpu.memory_space<vmem>>, vector<1024x64xbf16>
    tpu.vector_store %arg3[%swap3A, %swap3A_6], %convert_element_type3A {strides = array<i32>} : memref<1024x64xbf16, #tpu.memory_space<vmem>>, vector<1024x64xbf16>,
    return
  }
  func.func @transform_0(%arg0: i32) -> (i32, i32) {
    %c0_i32 = arith.constant 0 : i32
    %c0_i32_0 = arith.constant 0 : i32
    %c0_i32_1 = arith.constant 0 : i32
    return %c0_i32, %c0_i32_0 : i32, i32
  }
  func.func @transform_1(%arg0: i32) -> (i32, i32) {
    %c0_i32 = arith.constant 0 : i32
    %c0_i32_0 = arith.constant 0 : i32
    return %arg0, %c0_i32 : i32, i32
  }
  func.func @transform_2(%arg0: i32) -> (i32, i32) {
    %c0_i32 = arith.constant 0 : i32
    %c0_i32_0 = arith.constant 0 : i32
    return %arg0, %c0_i32 : i32, i32
  }
}

module attributes {stable_mosaic.version = 14 : i64} {
  func.func @body(%arg0: i32, %arg1: memref<8192x128xbf16, #tpu.memory_space<vmem>>, %arg2: memref<1x128xf32, #tpu.memory_space<vmem>>, %arg3: memref<128x128xf32, #tpu.memory_space<vmem>>, %arg4: memref<1x128xf32, #tpu.memory_space<vmem>>, %arg5: memref<8192x128xf32, #tpu.memory_space<vmem>>) attributes {dimension_semantics = [#tpu.dimension_semantics<arbitrary>], iteration_bounds = array<i64: 50>, scalar_prefetch = 0 : i64, scratch_operands = 0 : i64, tpu.core_type = #tpu.core_type<tc>, window_params = [{transform_indices = @transform_0, window_bounds = array<i64: 8192, 128>}, {pipeline_mode = #tpu.pipeline_mode<synchronous>, transform_indices = @transform_1, window_bounds = array<i64: 1, 128>}, {pipeline_mode = #tpu.pipeline_mode<synchronous>, transform_indices = @transform_2, window_bounds = array<i64: 128, 128>}, {pipeline_mode = #tpu.pipeline_mode<synchronous>, transform_indices = @transform_3, window_bounds = array<i64: 1, 128>}, {transform_indices = @transform_4, window_bounds = array<i64: 8192, 128>}]} {
    %get3A = arith.constant 0 : index
    %get3A_0 = arith.constant 0 : index
    %get3A_1 = vector.load %arg1[%get3A, %get3A_0] : memref<8192x128xbf16, #tpu.memory_space<vmem>>, vector<8192x128xbf16>
    %convert_element_type3A = arith.extf %get3A_1 : vector<8192x128xbf16> to vector<8192x128xf32>
    %get3A_2 = arith.constant 0 : index
    %get3A_3 = arith.constant 0 : index
    %get3A_4 = vector.load %arg2[%get3A_2, %get3A_3] : memref<1x128xf32, #tpu.memory_space<vmem>>, vector<1x128xf32>
    %add3A = vector.broadcast %get3A_4 : vector<1x128xf32> to vector<8192x128xf32>
    %add3A_5 = arith.addf %convert_element_type3A, %add3A : vector<8192x128xf32>
    %logistic3A = arith.negf %add3A_5 : vector<8192x128xf32>
    %logistic3A_6 = math.exp %logistic3A : vector<8192x128xf32>
    %logistic3A_7 = arith.constant 1.000000e+00 : f32
    %logistic3A_8 = vector.broadcast %logistic3A_7 : f32 to vector<8192x128xf32>
    %logistic3A_9 = arith.addf %logistic3A_8, %logistic3A_6 : vector<8192x128xf32>
    %logistic3A_10 = arith.divf %logistic3A_8, %logistic3A_9 : vector<8192x128xf32>
    %mul3A = arith.mulf %add3A_5, %logistic3A_10 : vector<8192x128xf32>
    %get3A_11 = arith.constant 0 : index
    %get3A_12 = arith.constant 0 : index
    %get3A_13 = vector.load %arg3[%get3A_11, %get3A_12] : memref<128x128xf32, #tpu.memory_space<vmem>>, vector<128x128xf32>
    %dot_general3A = arith.constant dense<0.000000e+00> : vector<8192x128xf32>
    %dot_general3A_14 = tpu.matmul %mul3A, %get3A_13, %dot_general3A {dimension_numbers = #tpu.dot_dimension_numbers<[1], [0], [0], [1], [0, 0, 1, 1], [], []>, transpose_lhs_hint = false} : vector<8192x128xf32>, vector<128x128xf32>, vector<8192x128xf32> -> vector<8192x128xf32>
    %get3A_15 = arith.constant 0 : index
    %get3A_16 = arith.constant 0 : index
    %get3A_17 = vector.load %arg4[%get3A_15, %get3A_16] : memref<1x128xf32, #tpu.memory_space<vmem>>, vector<1x128xf32>
    %add3A_18 = vector.broadcast %get3A_17 : vector<1x128xf32> to vector<8192x128xf32>
    %add3A_19 = arith.addf %dot_general3A_14, %add3A_18 : vector<8192x128xf32>
    %swap3A = arith.constant 0 : index
    %swap3A_20 = arith.constant 0 : index
    %swap3A_21 = vector.load %arg5[%swap3A, %swap3A_20] : memref<8192x128xf32, #tpu.memory_space<vmem>>, vector<8192x128xf32>
    tpu.vector_store %arg5[%swap3A, %swap3A_20], %add3A_19 {strides = array<i32>} : memref<8192x128xf32, #tpu.memory_space<vmem>>, vector<8192x128xf32>,
    return
  }
  func.func @transform_0(%arg0: i32) -> (i32, i32) {
    %c0_i32 = arith.constant 0 : i32
    %c0_i32_0 = arith.constant 0 : i32
    return %arg0, %c0_i32 : i32, i32
  }
  func.func @transform_1(%arg0: i32) -> (i32, i32) {
    %c0_i32 = arith.constant 0 : i32
    %c0_i32_0 = arith.constant 0 : i32
    %c0_i32_1 = arith.constant 0 : i32
    return %c0_i32, %c0_i32_0 : i32, i32
  }
  func.func @transform_2(%arg0: i32) -> (i32, i32) {
    %c0_i32 = arith.constant 0 : i32
    %c0_i32_0 = arith.constant 0 : i32
    %c0_i32_1 = arith.constant 0 : i32
    return %c0_i32, %c0_i32_0 : i32, i32
  }
  func.func @transform_3(%arg0: i32) -> (i32, i32) {
    %c0_i32 = arith.constant 0 : i32
    %c0_i32_0 = arith.constant 0 : i32
    %c0_i32_1 = arith.constant 0 : i32
    return %c0_i32, %c0_i32_0 : i32, i32
  }
  func.func @transform_4(%arg0: i32) -> (i32, i32) {
    %c0_i32 = arith.constant 0 : i32
    %c0_i32_0 = arith.constant 0 : i32
    return %arg0, %c0_i32 : i32, i32
  }
}

</mosaic_0001>

<sc_bundles>
// kernel: kernel.5.cloned.1.call-start
scs
__scs_entry_jumppad:
0x0: {  	(pc) =	sbr.rel $0x88, $3  }
0x1: {  	(tag) =	ssettag $0x0;
	lr =	simm.s32 $0x1  }
0x2: {  	[smem:$0x3F9B] =	sst lr;
	_ =	strace $0xD0000000  }
0x3: {  	_ = 	snop  }
0x4: {  	_ = 	snop  }
0x5: {  	_ = 	snop  }
0x6: {  	_ = 	snop  }
0x7: {  	_ = 	snop  }
__scs_overlays_trampoline_lowered:
0x8: {  	[smem:$0x3FAA] =	sst s0  }
0x9: {  	[smem:$0x3FAB] =	sst s1  }
0xa: {  	[smem:$0x3FAC] =	sst s2  }
0xb: {  	[smem:$0x3FAD] =	sst s3  }
0xc: {  	[smem:$0x3FAE] =	sst s4  }
0xd: {  	[smem:$0x3FAF] =	sst s5  }
0xe: {  	[smem:$0x3FB0] =	sst s6  }
0xf: {  	[smem:$0x3FB1] =	sst s7  }
0x10: {  	[smem:$0x3FB2] =	sst s8  }
0x11: {  	[smem:$0x3FB3] =	sst s9;
	s0 =	simm.s32 @!p0 $0x0  }
0x12: {  	s1 =	sld [smem:$0x3F99];
	s0 =	simm.s32 @p0 $0x1  }
0x13: {  	[smem:$0x3FB4] =	sst s0;
	s0 =	simm.s32 @!p1 $0x0  }
0x14: {  	s2 =	sld [smem:$0x3F98];
	s0 =	simm.s32 @p1 $0x1  }
0x15: {  	[smem:$0x3FB5] =	sst s0;
	s0 =	simm.s32 @!p2 $0x0  }
0x16: {  	s3 =	sld [smem:$0x3FDB];
	s0 =	simm.s32 @p2 $0x1  }
0x17: {  	s4 =	simm.s32 $0x1BF5;
	[smem:$0x3FB7] =	sst s0  }
0x18: {  	s0 =	sld [smem:$0x3F9A];
	_ =	swait.ge [sflag:s4], $0x0  }
0x19: {  	s7 =	sld [smem:$0x3F9B]  }
0x1a: {  	s8 =	sadd.s32 $0xFFFFE003, lr  }
0x1b: {  	s9 =	sadd.s32 $0xFFFFFEF7, lr;
	s5 =	simm.s32 $0xFFFFFFFF;
	p2 =	slt.u32 s8, $0xFFFFF086  }
0x1c: {  	p1 =	slt.u32 s9, $0xF7A;
	s5 =	simm.s32 @!p2 $0x0  }
0x1d: {  	s5 =	simm.s32 @p1 $0x1;
	p0 =	seq.s32 s7, s2  }
0x1e: {  	s7 =	smul.u32 @!p0 $0xF7A, s2;
	p2 =	seq.s32 @!p0 s5, $0x0  }
0x1f: {  	s9 =	smul.u32 $0xF7A, s1;
	s8 =	simm.s32 @!p0 $0x1BF5;
	p2 =	por !p2, p0  }
0x20: {  	[sflag:s8] =	ssyncset.s32 @!p0 $0xFFFFF086;
	s6 =	sadd.s32 @!p0 s3, s7;
	s7 =	simm.s32 @!p0 $0x108  }
0x21: {  	s3 =	sadd.s32 s3, s9;
	s6 =	sadd.s32 @!p0 $0x88, s6;
	s7 =	simm.s32 @p2 $0x1082  }
0x22: {  	[simem:s7], [sflag:s8] =	dma.local @!p0 [hbm:s6], $0xF7A  }
0x23: {  	s9 =	sor.u32 $0xD0000000, s2;
	s6 =	simm.s32 $0x108;
	_ =	swait.ge @!p0 [sflag:s8], $0x0  }
0x24: {  	s3 =	sadd.s32 $0x88, s3;
	s6 =	simm.s32 @!p1 $0x1082;
	[sflag:s4] =	ssyncset.s32 $0xFFFFF086  }
0x25: {  	[simem:s6], [sflag:s4] =	dma.local [hbm:s3], $0xF7A  }
0x26: {  	[smem:$0x3F9B] =	sst s1;
	(tag) =	ssettag s2;
	_ =	strace s9  }
0x27: {  	s1 =	sld [smem:$0x3FAB]  }
0x28: {  	s2 =	sld [smem:$0x3FAC]  }
0x29: {  	s4 =	sld [smem:$0x3FAE]  }
0x2a: {  	p0 =	seq.s32 s5, $0x0;
	s5 =	sld [smem:$0x3FAF]  }
0x2b: {  	s6 =	sld [smem:$0x3FB0]  }
0x2c: {  	s7 =	sld [smem:$0x3FB1]  }
0x2d: {  	s3 =	simm.s32 $0x108;
	s8 =	sld [smem:$0x3FB2]  }
0x2e: {  	s3 =	simm.s32 @!p0 $0x1082;
	s9 =	sld [smem:$0x3FB3]  }
0x2f: {  	lr =	sadd.s32 s0, s3;
	s0 =	sld [smem:$0x3FAA]  }
0x30: {  	s3 =	sld [smem:$0x3FAD]  }
0x31: {  	[smem:$0x3FB6] =	sst s10  }
0x32: {  	s10 =	sld [smem:$0x3FB4];
	_ =	sdelay $0x3  }
0x33: {  	p0 =	seq.s32 s10, $0x1;
	s10 =	sld [smem:$0x3FB6];
	_ =	sdelay $0x3  }
0x34: {  	[smem:$0x3FB6] =	sst s10  }
0x35: {  	s10 =	sld [smem:$0x3FB5];
	_ =	sdelay $0x3  }
0x36: {  	p1 =	seq.s32 s10, $0x1;
	s10 =	sld [smem:$0x3FB6];
	_ =	sdelay $0x3  }
0x37: {  	[smem:$0x3FB6] =	sst s10  }
0x38: {  	s10 =	sld [smem:$0x3FB7]  }
0x39: {  	_ = 	snop;
	(pc) =	sbr.ind lr, $3  }
0x3a: {  	_ = 	snop  }
0x3b: {  	_ = 	snop  }
0x3c: {  	p2 =	seq.s32 s10, $0x1;
	s10 =	sld [smem:$0x3FB6]  }
0x3d: {  	_ =	shalt  }
0x3e: {  	_ =	shalt  }
0x3f: {  	_ =	shalt  }
0x40: {  	_ =	shalt  }
0x41: {  	_ =	shalt  }
0x42: {  	_ =	shalt  }
0x43: {  	_ =	shalt  }
0x44: {  	_ =	shalt  }
0x45: {  	_ =	shalt  }
0x46: {  	_ =	shalt  }
0x47: {  	_ =	shalt  }
0x48: {  	_ =	shalt  }
0x49: {  	_ =	shalt  }
0x4a: {  	_ =	shalt  }
0x4b: {  	_ =	shalt  }
0x4c: {  	_ =	shalt  }
0x4d: {  	_ =	shalt  }
0x4e: {  	_ =	shalt  }
0x4f: {  	_ =	shalt  }
0x50: {  	_ =	shalt  }
0x51: {  	_ =	shalt  }
0x52: {  	_ =	shalt  }
0x53: {  	_ =	shalt  }
0x54: {  	_ =	shalt  }
0x55: {  	_ =	shalt  }
0x56: {  	_ =	shalt  }
0x57: {  	_ =	shalt  }
0x58: {  	_ =	shalt  }
0x59: {  	_ =	shalt  }
0x5a: {  	_ =	shalt  }
0x5b: {  	_ =	shalt  }
0x5c: {  	_ =	shalt  }
0x5d: {  	_ =	shalt  }
0x5e: {  	_ =	shalt  }
0x5f: {  	_ =	shalt  }
0x60: {  	_ =	shalt  }
0x61: {  	_ =	shalt  }
0x62: {  	_ =	shalt  }
0x63: {  	_ =	shalt  }
0x64: {  	_ =	shalt  }
0x65: {  	_ =	shalt  }
0x66: {  	_ =	shalt  }
0x67: {  	_ =	shalt  }
0x68: {  	_ =	shalt  }
0x69: {  	_ =	shalt  }
0x6a: {  	_ =	shalt  }
0x6b: {  	_ =	shalt  }
0x6c: {  	_ =	shalt  }
0x6d: {  	_ =	shalt  }
0x6e: {  	_ =	shalt  }
0x6f: {  	_ =	shalt  }
0x70: {  	_ =	shalt  }
0x71: {  	_ =	shalt  }
0x72: {  	_ =	shalt  }
0x73: {  	_ =	shalt  }
0x74: {  	_ =	shalt  }
0x75: {  	_ =	shalt  }
0x76: {  	_ =	shalt  }
0x77: {  	_ =	shalt  }
0x78: {  	_ =	shalt  }
0x79: {  	_ =	shalt  }
0x7a: {  	_ =	shalt  }
0x7b: {  	_ =	shalt  }
0x7c: {  	_ =	shalt  }
0x7d: {  	_ =	shalt  }
0x7e: {  	_ =	shalt  }
0x7f: {  	_ =	shalt  }
0x80: {  	_ =	shalt  }
0x81: {  	_ =	shalt  }
0x82: {  	_ =	shalt  }
0x83: {  	_ =	shalt  }
0x84: {  	_ =	shalt  }
0x85: {  	_ =	shalt  }
0x86: {  	_ =	shalt  }
0x87: {  	_ =	shalt  }
.Lfunc_end0:
.L_simem_size_0:
called_computation.1_lowered:
.L_overlay_start_0:
0x88: {  	s2 =	sld [smem:$0x3FD9]  }
0x89: {  	s3 =	sld [smem:$0x3FFE];
	_ =	sdelay $0x1  }
0x8a: {  	s1 =	srdreg.scid  }
0x8b: {  	s0 =	sand.u32 $0x1, s1  }
0x8c: {  	s17 =	sshll.u32 s0, $0xA;
	s2 =	sadd.s32 s3, s2  }
0x8d: {  	s2 =	sadd.s32 s2, s17  }
0x8e: {  	[smem:$0x3FC2] =	sst s2  }
0x8f: {  	_ = 	snop  }
0x90: {  	s2 =	sld [smem:$0x3FC9]  }
0x91: {  	s18 =	sld [smem:$0x3FD0];
	(tm) =	ssettm $0x1  }
0x92: {  	s4 =	sld [smem:$0x3FFB];
	_ =	sdelay $0x3  }
0x93: {  	_ =	strace s4  }
0x94: {  	s4 =	sld [smem:$0x3FFC];
	_ =	sdelay $0x3  }
0x95: {  	_ =	strace s4  }
0x96: {  	s4 =	sld [smem:$0x3FFD];
	_ =	sdelay $0x3  }
0x97: {  	_ =	strace s4  }
0x98: {  	_ =	strace $0x8FFFFFFF  }
0x99: {  	s19 =	sld [smem:$0x3FDB];
	_ =	sdelay $0x1  }
0x9a: {  	s5 =	simm.s32 $_scs_section_size  }
0x9b: {  	s6 =	simm.s32 $_size__tile_overlayer_lowered;
	s7 =	simm.s32 $_tile_overlayer_lowered  }
0x9c: {  	s22 =	simm.s32 $0x1BFF;
	s21 =	sshll.u32 s7, $0x1;
	s4 =	sadd.s32 s5, s19  }
0x9d: {  	s8 =	simm.s32 $0x0;
	s20 =	sshll.u32 s6, $0x1;
	s6 =	sadd.s32 s21, s4  }
0x9e: {  	[timem:s8], [sflag:s22] =	dma.local [hbm:s6], s20  }
0x9f: {  	_ =	swait.ge [sflag:s22], s20  }
0xa0: {  	s5 =	ssub.s32 $0x0, s20;
	[sflag:s22] =	ssyncset.done $0x0  }
0xa1: {  	[sflag:s22] =	ssyncadd.s32 s5;
	_ =	sdelay $0x1  }
0xa2: {  	s23 =	simm.s32 $0x1B8B  }
0xa3: {  	_ =	swait.ge [sflag:s23], $0x1  }
0xa4: {  	[sflag:s23] =	ssyncset.done $0x0  }
0xa5: {  	s25 =	simm.s32 $0x1B8E;
	s24 =	sld [smem:$0x3FFE];
	[sflag:s23] =	ssyncadd.s32 $0xFFFFFFFF  }
0xa6: {  	s26 =	simm.s32 $execute0_lowered;
	[smem:$0x3FD2] =	sst s25  }
0xa7: {  	s6 =	sshll.u32 s26, $0x1;
	_ =	strace $0x80000046;
	[dreg:$0x1] =	wrdreg $0xFFFFFFFF  }
0xa8: {  	s28 =	simm.s32 $_size_execute0_lowered;
	s4 =	sadd.s32 s4, s6;
	[dreg:$0x0] =	wrdreg $0x0  }
0xa9: {  	s6 =	sshll.u32 s28, $0x1;
	[dreg:$0x2] =	wrdreg s4  }
0xaa: {  	[dreg:$0x3] =	wrdreg s6  }
0xab: {  	[dreg:$0x4] =	wrdreg $0xC0  }
0xac: {  	_ =	task [dreg:s8], $0x5FFFF  }
0xad: {  	[dreg:$0x1] =	wrdreg $0xFFFFFFFF  }
0xae: {  	[dreg:$0x0] =	wrdreg $0x60  }
0xaf: {  	[dreg:$0x2] =	wrdreg s18  }
0xb0: {  	[dreg:$0x3] =	wrdreg s2  }
0xb1: {  	[dreg:$0x4] =	wrdreg s24  }
0xb2: {  	[dreg:$0x5] =	wrdreg $0xA5000  }
0xb3: {  	[dreg:$0x6] =	wrdreg $0x9  }
0xb4: {  	_ =	task.clear_ibuf [dreg:s8], $0x7FFFF;
	_ =	strace $0x90000046  }
0xb5: {  	s29 =	simm.s32 $0x9;
	_ =	strace $0x8000004F  }
0xb6: {  	_ =	swait.ge [sflag:s29], $0x1  }
0xb7: {  	[sflag:s29] =	ssyncadd.s32 $0xFFFFFFFF  }
0xb8: {  	_ =	strace $0x9000004F  }
0xb9: {  	_ =	sfence  }
0xba: {  	s30 =	sld [smem:$0x0];
	_ =	sdelay $0x2  }
0xbb: {  	s31 =	sshll.u32 s1, $0xD;
	s1 =	sshrl.u32 s1, $0x2  }
0xbc: {  	s3 =	sand.u32 $0x4000, s31;
	s1 =	sadd.s32 s1, s30  }
0xbd: {  	s0 =	sor.u32 s3, s0;
	s1 =	sshll.u32 s1, $0x11  }
0xbe: {  	s0 =	sor.u32 s1, s0  }
0xbf: {  	s0 =	sadd.s32 $0x8F2B, s0  }
0xc0: {  	[sflag:s0] =	ssyncadd.remote.s32 $0x1  }
0xc1: {  	_ =	sfence.sel $0xFFFF  }
0xc2: {  	[dreg:$0x0] =	wrdreg $0xFFFFFFFF;
	(pc) =	sbr.abs _section_cstart, $3  }
0xc3: {  	[dreg:$0x1] =	wrdreg $0xFFFFFFFF  }
0xc4: {  	_ =	task.clear_ibuf [dreg:s8], $0x2FFFF;
	_ =	strace $0x9FFFFFFF  }
0xc5: {  	(tm) =	ssettm $0x7FFFFFFF  }
tec
execute0_lowered:
.L_overlay_start_1:
0x0: {  	(tag) =	ssettag $0x1  }
0x1: {  	s1 =	rddreg [dreg:$0x0]  }
0x2: {  	s2 =	rddreg [dreg:$0x1]  }
0x3: {  	s0 =	rddreg [dreg:$0x2]  }
0x4: {  	s3 =	rddreg [dreg:$0x3];
	s4 =	simm.s32 $0x0;
	s5 =	srdreg.scid  }
0x5: {  	s8 =	stileid.u32;
	s25 =	simm.s32 $0x180;
	s26 =	simm.s32 $0x200  }
0x6: {  	s28 =	simm.s32 $0x280;
	s29 =	simm.s32 $0x300;
	s30 =	simm.s32 $0x380  }
0x7: {  	s31 =	simm.s32 $0x8500;
	[smem:$0x7FF] =	sst s4;
	s5 =	sand.u32 $0x1, s5  }
0x8: {  	s0 =	sadd.s32 $0x1400, s0;
	s10 =	sshll.u32 s8, $0x8;
	s13 =	sshll.u32 s8, $0xD  }
0x9: {  	_ =	strace $0x80000047;
	s6 =	ssub.s32 $0x2, s5;
	s5 =	sshll.u32 s5, $0x4  }
0xa: {  	[dreg:$0x5] =	wrdreg s0;
	s14 =	sor.u32 $0x10, s10;
	s17 =	sor.u32 $0x20, s10  }
0xb: {  	s15 =	sor.u32 $0x30, s10;
	s16 =	sor.u32 $0x40, s10;
	s18 =	sor.u32 $0x50, s10  }
0xc: {  	s19 =	sor.u32 $0x60, s10;
	s20 =	sor.u32 $0x70, s10;
	[dreg:$0x7] =	wrdreg s25  }
0xd: {  	s21 =	sor.u32 $0x80, s10;
	s22 =	sor.u32 $0x90, s10;
	[dreg:$0x8] =	wrdreg s26  }
0xe: {  	s23 =	sor.u32 $0xA0, s10;
	s24 =	sor.u32 $0xB0, s10;
	[dreg:$0x9] =	wrdreg s28  }
0xf: {  	s25 =	sor.u32 $0xC0, s10;
	s26 =	sor.u32 $0xD0, s10;
	[dreg:$0xa] =	wrdreg s29  }
0x10: {  	s28 =	sor.u32 $0xE0, s10;
	s29 =	sor.u32 $0xF0, s10;
	[dreg:$0xb] =	wrdreg s30  }
0x11: {  	v15 =	vlaneseq.u32;
	[dreg:$0xc] =	wrdreg s31;
	s7 =	sshrl.u32 s6, $0x1;
	s5 =	sor.u32 s8, s5  }
0x12: {  	s8 =	sadd.s32 s13, s3;
	v1 =	vor.u32 s14, v15;
	s13 =	simm.s32 $0x500;
	s14 =	simm.s32 $0x1500  }
0x13: {  	v2 =	vor.u32 s17, v15;
	v3 =	vor.u32 s15, v15;
	v4 =	vor.u32 s16, v15;
	s15 =	simm.s32 $0x2500;
	s16 =	simm.s32 $0x3500;
	s17 =	simm.s32 $0x4500  }
0x14: {  	v5 =	vor.u32 s18, v15;
	v6 =	vor.u32 s19, v15;
	v7 =	vor.u32 s20, v15;
	s18 =	simm.s32 $0x5500;
	s19 =	simm.s32 $0x6500;
	s20 =	simm.s32 $0x7500  }
0x15: {  	v8 =	vor.u32 s21, v15;
	v9 =	vor.u32 s22, v15;
	s21 =	simm.s32 $0x6;
	s22 =	simm.s32 $0x400;
	s11 =	ssub.s32 s6, s7  }
0x16: {  	v10 =	vor.u32 s23, v15;
	s23 =	simm.s32 $0x480;
	s12 =	smul.u32 $0x3200, s5;
	s0 =	smax.u32 s11, $0x1  }
0x17: {  	v12 =	vor.u32 s25, v15;
	s25 =	simm.s32 $0x0;
	s11 =	simm.s32 $0x100;
	[dreg:$0xe] =	wrdreg s0  }
0x18: {  	v16 =	vimm.bf16 $0.0e+00;
	v0 =	vor.u32 s10, v15;
	v11 =	vor.u32 s24, v15;
	s6 =	smul.u32 $0x64, s5;
	s7 =	sadd.s32 s2, s12;
	[dreg:$0x6] =	wrdreg s11  }
0x19: {  	v13 =	vor.u32 s26, v15;
	v14 =	vor.u32 s28, v15;
	v15 =	vor.u32 s29, v15;
	s11 =	simm.s32 $0x1;
	s12 =	simm.s32 $0x80;
	[dreg:$0xd] =	wrdreg s7  }
.LBB2_1:
0x1a: {  	s0 =	simm.s32 $0x80;
	s5 =	simm.s32 $0x0  }
.LBB2_2:
0x1b: {  	p0 =	sne.s32 s0, $0x7F80;
	[tilespmem:s5+$0x8500] =	vst v16;
	s10 =	smov.u32 s0;
	s0 =	sadd.s32 $0x80, s0  }
.Ltmp0:
0x1c: {  	[tilespmem:s5+$0x8510] =	vst v16;
	(pc) =	sbr.rel @p0 .LBB2_2-.Ltmp0, $2  }
0x1d: {  	_ =	sdelay $0x2  }
0x1e: {  	s5 =	sshra.s32 s10, $0x2  }
0x1f: {  	[tilespmem:s5+$0x8500] =	vst v16  }
0x20: {  	[tilespmem:s5+$0x8510] =	vst v16  }
0x21: {  	[tilespmem:$0x400] =	vst v0  }
0x22: {  	[tilespmem:$0x410] =	vst v1  }
0x23: {  	[tilespmem:$0x420] =	vst v2  }
0x24: {  	[tilespmem:$0x430] =	vst v3  }
0x25: {  	[tilespmem:$0x440] =	vst v4  }
0x26: {  	[tilespmem:$0x450] =	vst v5  }
0x27: {  	[tilespmem:$0x460] =	vst v6  }
0x28: {  	[tilespmem:$0x470] =	vst v7  }
0x29: {  	[tilespmem:$0x480] =	vst v8  }
0x2a: {  	[tilespmem:$0x490] =	vst v9  }
0x2b: {  	[tilespmem:$0x4A0] =	vst v10  }
0x2c: {  	[tilespmem:$0x4B0] =	vst v11  }
0x2d: {  	[tilespmem:$0x4C0] =	vst v12  }
0x2e: {  	[tilespmem:$0x4D0] =	vst v13  }
0x2f: {  	[tilespmem:$0x4E0] =	vst v14  }
0x30: {  	s26 =	simm.s32 $0x0;
	[tilespmem:$0x4F0] =	vst v15  }
0x31: {  	s24 =	simm.s32 $0xC500;
	s28 =	simm.s32 $0x1;
	_ =	strace $0x80000048  }
0x32: {  	s29 =	simm.s32 $0x64;
	s30 =	simm.s32 $0x0;
	s0 =	rddreg [dreg:$0xd]  }
0x33: {  	[tilespmem:s24], [sflag:$0x2] =	stream.linear.gather [hbm4b:s0+s26], $0x400, $0x200038;
	[tilespmem:$0x10D00] =	vst v63  }
0x34: {  	s31 =	simm.s32 $0x0;
	s0 =	simm.s32 $0x0;
	_ =	strace $0x90000048  }
.LBB2_4:
0x35: {  	s5 =	smov.u32 s26;
	s26 =	sadd.s32 $0x1, s26  }
0x36: {  	p0 =	seq.s32 s26, $0x64  }
0x37: {  	s26 =	simm.s32 @p0 $0x0  }
0x38: {  	p6 =	sne.s32 s29, $0x1;
	p1 =	sne.s32 s5, s26  }
0x39: {  	p0 =	por !p6, !p1  }
0x3a: {  	p0 =	por !p0, !p0  }
0x3b: {  	s7 =	sadd.s32 @p0 s6, s26  }
0x3c: {  	s10 =	sand.u32 @p0 $0x1, s28;
	_ =	strace @p0 $0x80000049;
	s7 =	sshll.u32 @p0 s7, $0x7  }
0x3d: {  	s24 =	simm.s32 @p0 $0x0;
	s9 =	sshll.u32 @p0 s10, $0xA;
	s7 =	sand.u32 @p0 $0x1FFFFF80, s7  }
0x3e: {  	s10 =	sor.u32 @p0 $0x2, s10;
	s9 =	sadd.s32 @p0 $0xC500, s9;
	s7 =	sadd.s32 @p0 s2, s7  }
0x3f: {  	[tilespmem:s9], [sflag:s10] =	stream.linear.gather @p0 [hbm4b:s7+s24], $0x400, $0x200038;
	[tilespmem:$0x10D00] =	vst v63  }
0x40: {  	s10 =	sand.u32 $0x1, s0;
	_ =	strace @p0 $0x90000049  }
0x41: {  	s24 =	sor.u32 $0x2, s10;
	_ =	strace $0x8000004A  }
0x42: {  	_ =	swait.ge [sflag:s24], $0x400  }
0x43: {  	[sflag:s24] =	ssyncset.done $0x0  }
0x44: {  	[sflag:s24] =	ssyncadd.s32 $0xFFFFFC00  }
0x45: {  	_ =	strace $0x9000004A  }
0x46: {  	s9 =	sshll.u32 s10, $0xA;
	_ =	strace $0x8000004B  }
0x47: {  	v17 =	vld [tilespmem:s9+$0xC500];
	_ =	sdelay $0x4  }
0x48: {  	[tilespmem:$0x0] =	vst v17  }
0x49: {  	v17 =	vld [tilespmem:s9+$0xC510];
	_ =	sdelay $0x4  }
0x4a: {  	[tilespmem:$0x10] =	vst v17  }
0x4b: {  	v17 =	vld [tilespmem:s9+$0xC520];
	_ =	sdelay $0x4  }
0x4c: {  	[tilespmem:$0x20] =	vst v17  }
0x4d: {  	v17 =	vld [tilespmem:s9+$0xC530];
	_ =	sdelay $0x4  }
0x4e: {  	[tilespmem:$0x30] =	vst v17  }
0x4f: {  	v17 =	vld [tilespmem:s9+$0xC540];
	_ =	sdelay $0x4  }
0x50: {  	[tilespmem:$0x40] =	vst v17  }
0x51: {  	v17 =	vld [tilespmem:s9+$0xC550];
	_ =	sdelay $0x4  }
0x52: {  	[tilespmem:$0x50] =	vst v17  }
0x53: {  	v17 =	vld [tilespmem:s9+$0xC560];
	_ =	sdelay $0x4  }
0x54: {  	[tilespmem:$0x60] =	vst v17  }
0x55: {  	v17 =	vld [tilespmem:s9+$0xC570];
	_ =	sdelay $0x4  }
0x56: {  	[tilespmem:$0x70] =	vst v17  }
0x57: {  	v17 =	vld [tilespmem:s9+$0xC580];
	_ =	sdelay $0x4  }
0x58: {  	v17 =	vadd.s32 $0x400, v17  }
0x59: {  	[tilespmem:$0x80] =	vst v17  }
0x5a: {  	v17 =	vld [tilespmem:s9+$0xC590];
	_ =	sdelay $0x4  }
0x5b: {  	v17 =	vadd.s32 $0x400, v17  }
0x5c: {  	[tilespmem:$0x90] =	vst v17  }
0x5d: {  	v17 =	vld [tilespmem:s9+$0xC5A0];
	_ =	sdelay $0x4  }
0x5e: {  	v17 =	vadd.s32 $0x400, v17  }
0x5f: {  	[tilespmem:$0xA0] =	vst v17  }
0x60: {  	v17 =	vld [tilespmem:s9+$0xC5B0];
	_ =	sdelay $0x4  }
0x61: {  	v17 =	vadd.s32 $0x400, v17  }
0x62: {  	[tilespmem:$0xB0] =	vst v17  }
0x63: {  	v17 =	vld [tilespmem:s9+$0xC5C0];
	_ =	sdelay $0x4  }
0x64: {  	v17 =	vadd.s32 $0x400, v17  }
0x65: {  	[tilespmem:$0xC0] =	vst v17  }
0x66: {  	v17 =	vld [tilespmem:s9+$0xC5D0];
	_ =	sdelay $0x4  }
0x67: {  	v17 =	vadd.s32 $0x400, v17  }
0x68: {  	[tilespmem:$0xD0] =	vst v17  }
0x69: {  	v17 =	vld [tilespmem:s9+$0xC5E0];
	_ =	sdelay $0x4  }
0x6a: {  	v17 =	vadd.s32 $0x400, v17  }
0x6b: {  	[tilespmem:$0xE0] =	vst v17  }
0x6c: {  	v17 =	vld [tilespmem:s9+$0xC5F0];
	_ =	sdelay $0x4  }
0x6d: {  	v17 =	vadd.s32 $0x400, v17  }
0x6e: {  	[tilespmem:$0xF0] =	vst v17  }
0x6f: {  	v17 =	vld [tilespmem:s9+$0xC600];
	_ =	sdelay $0x4  }
0x70: {  	v17 =	vadd.s32 $0x800, v17  }
0x71: {  	[tilespmem:$0x100] =	vst v17  }
0x72: {  	v17 =	vld [tilespmem:s9+$0xC610];
	_ =	sdelay $0x4  }
0x73: {  	v17 =	vadd.s32 $0x800, v17  }
0x74: {  	[tilespmem:$0x110] =	vst v17  }
0x75: {  	v17 =	vld [tilespmem:s9+$0xC620];
	_ =	sdelay $0x4  }
0x76: {  	v17 =	vadd.s32 $0x800, v17  }
0x77: {  	[tilespmem:$0x120] =	vst v17  }
0x78: {  	v17 =	vld [tilespmem:s9+$0xC630];
	_ =	sdelay $0x4  }
0x79: {  	v17 =	vadd.s32 $0x800, v17  }
0x7a: {  	[tilespmem:$0x130] =	vst v17  }
0x7b: {  	v17 =	vld [tilespmem:s9+$0xC640];
	_ =	sdelay $0x4  }
0x7c: {  	v17 =	vadd.s32 $0x800, v17  }
0x7d: {  	[tilespmem:$0x140] =	vst v17  }
0x7e: {  	v17 =	vld [tilespmem:s9+$0xC650];
	_ =	sdelay $0x4  }
0x7f: {  	v17 =	vadd.s32 $0x800, v17  }
0x80: {  	[tilespmem:$0x150] =	vst v17  }
0x81: {  	v17 =	vld [tilespmem:s9+$0xC660];
	_ =	sdelay $0x4  }
0x82: {  	v17 =	vadd.s32 $0x800, v17  }
0x83: {  	[tilespmem:$0x160] =	vst v17  }
0x84: {  	v17 =	vld [tilespmem:s9+$0xC670];
	_ =	sdelay $0x4  }
0x85: {  	v17 =	vadd.s32 $0x800, v17  }
0x86: {  	[tilespmem:$0x170] =	vst v17  }
0x87: {  	v17 =	vld [tilespmem:s9+$0xC680];
	_ =	sdelay $0x4  }
0x88: {  	v17 =	vadd.s32 $0xC00, v17  }
0x89: {  	[tilespmem:$0x180] =	vst v17  }
0x8a: {  	v17 =	vld [tilespmem:s9+$0xC690];
	_ =	sdelay $0x4  }
0x8b: {  	v17 =	vadd.s32 $0xC00, v17  }
0x8c: {  	[tilespmem:$0x190] =	vst v17  }
0x8d: {  	v17 =	vld [tilespmem:s9+$0xC6A0];
	_ =	sdelay $0x4  }
0x8e: {  	v17 =	vadd.s32 $0xC00, v17  }
0x8f: {  	[tilespmem:$0x1A0] =	vst v17  }
0x90: {  	v17 =	vld [tilespmem:s9+$0xC6B0];
	_ =	sdelay $0x4  }
0x91: {  	v17 =	vadd.s32 $0xC00, v17  }
0x92: {  	[tilespmem:$0x1B0] =	vst v17  }
0x93: {  	v17 =	vld [tilespmem:s9+$0xC6C0];
	_ =	sdelay $0x4  }
0x94: {  	v17 =	vadd.s32 $0xC00, v17  }
0x95: {  	[tilespmem:$0x1C0] =	vst v17  }
0x96: {  	v17 =	vld [tilespmem:s9+$0xC6D0];
	_ =	sdelay $0x4  }
0x97: {  	v17 =	vadd.s32 $0xC00, v17  }
0x98: {  	[tilespmem:$0x1D0] =	vst v17  }
0x99: {  	v17 =	vld [tilespmem:s9+$0xC6E0];
	_ =	sdelay $0x4  }
0x9a: {  	v17 =	vadd.s32 $0xC00, v17  }
0x9b: {  	[tilespmem:$0x1E0] =	vst v17  }
0x9c: {  	v17 =	vld [tilespmem:s9+$0xC6F0];
	_ =	sdelay $0x4  }
0x9d: {  	v17 =	vadd.s32 $0xC00, v17  }
0x9e: {  	[tilespmem:$0x1F0] =	vst v17  }
0x9f: {  	v17 =	vld [tilespmem:s9+$0xC700];
	_ =	sdelay $0x4  }
0xa0: {  	[tilespmem:$0x200] =	vst v17  }
0xa1: {  	v17 =	vld [tilespmem:s9+$0xC710];
	_ =	sdelay $0x4  }
0xa2: {  	[tilespmem:$0x210] =	vst v17  }
0xa3: {  	v17 =	vld [tilespmem:s9+$0xC720];
	_ =	sdelay $0x4  }
0xa4: {  	[tilespmem:$0x220] =	vst v17  }
0xa5: {  	v17 =	vld [tilespmem:s9+$0xC730];
	_ =	sdelay $0x4  }
0xa6: {  	[tilespmem:$0x230] =	vst v17  }
0xa7: {  	v17 =	vld [tilespmem:s9+$0xC740];
	_ =	sdelay $0x4  }
0xa8: {  	[tilespmem:$0x240] =	vst v17  }
0xa9: {  	v17 =	vld [tilespmem:s9+$0xC750];
	_ =	sdelay $0x4  }
0xaa: {  	[tilespmem:$0x250] =	vst v17  }
0xab: {  	v17 =	vld [tilespmem:s9+$0xC760];
	_ =	sdelay $0x4  }
0xac: {  	[tilespmem:$0x260] =	vst v17  }
0xad: {  	v17 =	vld [tilespmem:s9+$0xC770];
	_ =	sdelay $0x4  }
0xae: {  	[tilespmem:$0x270] =	vst v17  }
0xaf: {  	v17 =	vld [tilespmem:s9+$0xC780];
	_ =	sdelay $0x4  }
0xb0: {  	v17 =	vadd.s32 $0x400, v17  }
0xb1: {  	[tilespmem:$0x280] =	vst v17  }
0xb2: {  	v17 =	vld [tilespmem:s9+$0xC790];
	_ =	sdelay $0x4  }
0xb3: {  	v17 =	vadd.s32 $0x400, v17  }
0xb4: {  	[tilespmem:$0x290] =	vst v17  }
0xb5: {  	v17 =	vld [tilespmem:s9+$0xC7A0];
	_ =	sdelay $0x4  }
0xb6: {  	v17 =	vadd.s32 $0x400, v17  }
0xb7: {  	[tilespmem:$0x2A0] =	vst v17  }
0xb8: {  	v17 =	vld [tilespmem:s9+$0xC7B0];
	_ =	sdelay $0x4  }
0xb9: {  	v17 =	vadd.s32 $0x400, v17  }
0xba: {  	[tilespmem:$0x2B0] =	vst v17  }
0xbb: {  	v17 =	vld [tilespmem:s9+$0xC7C0];
	_ =	sdelay $0x4  }
0xbc: {  	v17 =	vadd.s32 $0x400, v17  }
0xbd: {  	[tilespmem:$0x2C0] =	vst v17  }
0xbe: {  	v17 =	vld [tilespmem:s9+$0xC7D0];
	_ =	sdelay $0x4  }
0xbf: {  	v17 =	vadd.s32 $0x400, v17  }
0xc0: {  	[tilespmem:$0x2D0] =	vst v17  }
0xc1: {  	v17 =	vld [tilespmem:s9+$0xC7E0];
	_ =	sdelay $0x4  }
0xc2: {  	v17 =	vadd.s32 $0x400, v17  }
0xc3: {  	[tilespmem:$0x2E0] =	vst v17  }
0xc4: {  	v17 =	vld [tilespmem:s9+$0xC7F0];
	_ =	sdelay $0x4  }
0xc5: {  	v17 =	vadd.s32 $0x400, v17  }
0xc6: {  	[tilespmem:$0x2F0] =	vst v17  }
0xc7: {  	v17 =	vld [tilespmem:s9+$0xC800];
	_ =	sdelay $0x4  }
0xc8: {  	v17 =	vadd.s32 $0x800, v17  }
0xc9: {  	[tilespmem:$0x300] =	vst v17  }
0xca: {  	v17 =	vld [tilespmem:s9+$0xC810];
	_ =	sdelay $0x4  }
0xcb: {  	v17 =	vadd.s32 $0x800, v17  }
0xcc: {  	[tilespmem:$0x310] =	vst v17  }
0xcd: {  	v17 =	vld [tilespmem:s9+$0xC820];
	_ =	sdelay $0x4  }
0xce: {  	v17 =	vadd.s32 $0x800, v17  }
0xcf: {  	[tilespmem:$0x320] =	vst v17  }
0xd0: {  	v17 =	vld [tilespmem:s9+$0xC830];
	_ =	sdelay $0x4  }
0xd1: {  	v17 =	vadd.s32 $0x800, v17  }
0xd2: {  	[tilespmem:$0x330] =	vst v17  }
0xd3: {  	v17 =	vld [tilespmem:s9+$0xC840];
	_ =	sdelay $0x4  }
0xd4: {  	v17 =	vadd.s32 $0x800, v17  }
0xd5: {  	[tilespmem:$0x340] =	vst v17  }
0xd6: {  	v17 =	vld [tilespmem:s9+$0xC850];
	_ =	sdelay $0x4  }
0xd7: {  	v17 =	vadd.s32 $0x800, v17  }
0xd8: {  	[tilespmem:$0x350] =	vst v17  }
0xd9: {  	v17 =	vld [tilespmem:s9+$0xC860];
	_ =	sdelay $0x4  }
0xda: {  	v17 =	vadd.s32 $0x800, v17  }
0xdb: {  	[tilespmem:$0x360] =	vst v17  }
0xdc: {  	v17 =	vld [tilespmem:s9+$0xC870];
	_ =	sdelay $0x4  }
0xdd: {  	v17 =	vadd.s32 $0x800, v17  }
0xde: {  	[tilespmem:$0x370] =	vst v17  }
0xdf: {  	v17 =	vld [tilespmem:s9+$0xC880];
	_ =	sdelay $0x4  }
0xe0: {  	v17 =	vadd.s32 $0xC00, v17  }
0xe1: {  	[tilespmem:$0x380] =	vst v17  }
0xe2: {  	v17 =	vld [tilespmem:s9+$0xC890];
	_ =	sdelay $0x4  }
0xe3: {  	v17 =	vadd.s32 $0xC00, v17  }
0xe4: {  	[tilespmem:$0x390] =	vst v17  }
0xe5: {  	v17 =	vld [tilespmem:s9+$0xC8A0];
	_ =	sdelay $0x4  }
0xe6: {  	v17 =	vadd.s32 $0xC00, v17  }
0xe7: {  	[tilespmem:$0x3A0] =	vst v17  }
0xe8: {  	v17 =	vld [tilespmem:s9+$0xC8B0];
	_ =	sdelay $0x4  }
0xe9: {  	v17 =	vadd.s32 $0xC00, v17  }
0xea: {  	[tilespmem:$0x3B0] =	vst v17  }
0xeb: {  	v17 =	vld [tilespmem:s9+$0xC8C0];
	_ =	sdelay $0x4  }
0xec: {  	v17 =	vadd.s32 $0xC00, v17  }
0xed: {  	[tilespmem:$0x3C0] =	vst v17  }
0xee: {  	v17 =	vld [tilespmem:s9+$0xC8D0];
	_ =	sdelay $0x4  }
0xef: {  	v17 =	vadd.s32 $0xC00, v17  }
0xf0: {  	[tilespmem:$0x3D0] =	vst v17  }
0xf1: {  	v17 =	vld [tilespmem:s9+$0xC8E0];
	_ =	sdelay $0x4  }
0xf2: {  	v17 =	vadd.s32 $0xC00, v17  }
0xf3: {  	[tilespmem:$0x3E0] =	vst v17  }
0xf4: {  	v17 =	vld [tilespmem:s9+$0xC8F0];
	_ =	sdelay $0x4  }
0xf5: {  	v17 =	vadd.s32 $0xC00, v17  }
0xf6: {  	[tilespmem:$0x3F0] =	vst v17  }
0xf7: {  	[tilespmem:s13], [sflag:$0x1] =	stream.indirect.gather [hbm4b:s1+s12], $0x20, s4, s12, $0x2000b8;
	[tilespmem:$0x10D00] =	vst v63  }
0xf8: {  	_ = 	snop  }
0xf9: {  	[tilespmem:s14], [sflag:$0x1] =	stream.indirect.gather [hbm4b:s1+s12], $0x20, s12, s12, $0x2000b8;
	[tilespmem:$0x10D00] =	vst v63  }
0xfa: {  	s10 =	rddreg [dreg:$0x6]  }
0xfb: {  	[tilespmem:s15], [sflag:$0x1] =	stream.indirect.gather [hbm4b:s1+s12], $0x20, s10, s12, $0x2000b8;
	[tilespmem:$0x10D00] =	vst v63  }
0xfc: {  	s24 =	rddreg [dreg:$0x7]  }
0xfd: {  	[tilespmem:s16], [sflag:$0x1] =	stream.indirect.gather [hbm4b:s1+s12], $0x20, s24, s12, $0x2000b8;
	[tilespmem:$0x10D00] =	vst v63  }
0xfe: {  	s10 =	rddreg [dreg:$0x8]  }
0xff: {  	[tilespmem:s17], [sflag:$0x1] =	stream.indirect.gather [hbm4b:s1+s12], $0x20, s10, s12, $0x2000b8;
	[tilespmem:$0x10D00] =	vst v63  }
0x100: {  	s24 =	rddreg [dreg:$0x9]  }
0x101: {  	[tilespmem:s18], [sflag:$0x1] =	stream.indirect.gather [hbm4b:s1+s12], $0x20, s24, s12, $0x2000b8;
	[tilespmem:$0x10D00] =	vst v63  }
0x102: {  	s10 =	rddreg [dreg:$0xa]  }
0x103: {  	[tilespmem:s19], [sflag:$0x1] =	stream.indirect.gather [hbm4b:s1+s12], $0x20, s10, s12, $0x2000b8;
	[tilespmem:$0x10D00] =	vst v63  }
0x104: {  	s24 =	rddreg [dreg:$0xb]  }
0x105: {  	[tilespmem:s20], [sflag:$0x1] =	stream.indirect.gather [hbm4b:s1+s12], $0x20, s24, s12, $0x2000b8;
	[tilespmem:$0x10D00] =	vst v63  }
0x106: {  	s10 =	rddreg [dreg:$0xc]  }
0x107: {  	[spmem:s8] =	stream.linear.scatter [tilespmem:s10], [sflag:$0x6], $0x2000, $0x200038;
	[tilespmem:$0x10D00] =	vst v63  }
0x108: {  	_ =	swait.ge [sflag:s21], $0x2000  }
0x109: {  	[sflag:s21] =	ssyncset.done $0x0  }
0x10a: {  	[sflag:s21] =	ssyncadd.s32 $0xFFFFE000  }
0x10b: {  	_ =	swait.ge [sflag:s11], $0x1000  }
0x10c: {  	[sflag:s11] =	ssyncset.done $0x0  }
0x10d: {  	[sflag:s11] =	ssyncadd.s32 $0xFFFFF000  }
0x10e: {  	_ =	swait.ge [sflag:s11], $0x1000  }
0x10f: {  	[sflag:s11] =	ssyncset.done $0x0  }
0x110: {  	[sflag:s11] =	ssyncadd.s32 $0xFFFFF000  }
0x111: {  	_ =	swait.ge [sflag:s11], $0x1000  }
0x112: {  	[sflag:s11] =	ssyncset.done $0x0  }
0x113: {  	[sflag:s11] =	ssyncadd.s32 $0xFFFFF000  }
0x114: {  	_ =	swait.ge [sflag:s11], $0x1000  }
0x115: {  	[sflag:s11] =	ssyncset.done $0x0  }
0x116: {  	[sflag:s11] =	ssyncadd.s32 $0xFFFFF000  }
0x117: {  	_ =	swait.ge [sflag:s11], $0x1000  }
0x118: {  	[sflag:s11] =	ssyncset.done $0x0  }
0x119: {  	[sflag:s11] =	ssyncadd.s32 $0xFFFFF000  }
0x11a: {  	_ =	swait.ge [sflag:s11], $0x1000  }
0x11b: {  	[sflag:s11] =	ssyncset.done $0x0  }
0x11c: {  	[sflag:s11] =	ssyncadd.s32 $0xFFFFF000  }
0x11d: {  	_ =	swait.ge [sflag:s11], $0x1000  }
0x11e: {  	[sflag:s11] =	ssyncset.done $0x0  }
0x11f: {  	[sflag:s11] =	ssyncadd.s32 $0xFFFFF000  }
0x120: {  	_ =	swait.ge [sflag:s11], $0x1000  }
0x121: {  	[sflag:s11] =	ssyncset.done $0x0  }
0x122: {  	[sflag:s11] =	ssyncadd.s32 $0xFFFFF000  }
0x123: {  	[spmem:s3] =	stream.indirect.scatter.add.bf16 [tilespmem:s13], [sflag:$0x1], $0x20, s22, s12, $0x2000b8;
	[tilespmem:$0x10D00] =	vst v63  }
0x124: {  	_ = 	snop  }
0x125: {  	[spmem:s3] =	stream.indirect.scatter.add.bf16 [tilespmem:s14], [sflag:$0x1], $0x20, s22, s12, $0x2000b8;
	[tilespmem:$0x10D00] =	vst v63  }
0x126: {  	_ = 	snop  }
0x127: {  	[spmem:s3] =	stream.indirect.scatter.add.bf16 [tilespmem:s15], [sflag:$0x1], $0x20, s22, s12, $0x2000b8;
	[tilespmem:$0x10D00] =	vst v63  }
0x128: {  	_ = 	snop  }
0x129: {  	[spmem:s3] =	stream.indirect.scatter.add.bf16 [tilespmem:s16], [sflag:$0x1], $0x20, s22, s12, $0x2000b8;
	[tilespmem:$0x10D00] =	vst v63  }
0x12a: {  	_ = 	snop  }
0x12b: {  	[spmem:s3] =	stream.indirect.scatter.add.bf16 [tilespmem:s17], [sflag:$0x1], $0x20, s23, s12, $0x2000b8;
	[tilespmem:$0x10D00] =	vst v63  }
0x12c: {  	_ = 	snop  }
0x12d: {  	[spmem:s3] =	stream.indirect.scatter.add.bf16 [tilespmem:s18], [sflag:$0x1], $0x20, s23, s12, $0x2000b8;
	[tilespmem:$0x10D00] =	vst v63  }
0x12e: {  	_ = 	snop  }
0x12f: {  	[spmem:s3] =	stream.indirect.scatter.add.bf16 [tilespmem:s19], [sflag:$0x1], $0x20, s23, s12, $0x2000b8;
	[tilespmem:$0x10D00] =	vst v63  }
0x130: {  	_ = 	snop  }
0x131: {  	[spmem:s3] =	stream.indirect.scatter.add.bf16 [tilespmem:s20], [sflag:$0x1], $0x20, s23, s12, $0x2000b8;
	[tilespmem:$0x10D00] =	vst v63  }
0x132: {  	_ =	swait.ge [sflag:s11], $0x1000  }
0x133: {  	[sflag:s11] =	ssyncset.done $0x0  }
0x134: {  	[sflag:s11] =	ssyncadd.s32 $0xFFFFF000  }
0x135: {  	_ =	swait.ge [sflag:s11], $0x1000  }
0x136: {  	[sflag:s11] =	ssyncset.done $0x0  }
0x137: {  	[sflag:s11] =	ssyncadd.s32 $0xFFFFF000  }
0x138: {  	_ =	swait.ge [sflag:s11], $0x1000  }
0x139: {  	[sflag:s11] =	ssyncset.done $0x0  }
0x13a: {  	[sflag:s11] =	ssyncadd.s32 $0xFFFFF000  }
0x13b: {  	_ =	swait.ge [sflag:s11], $0x1000  }
0x13c: {  	[sflag:s11] =	ssyncset.done $0x0  }
0x13d: {  	[sflag:s11] =	ssyncadd.s32 $0xFFFFF000  }
0x13e: {  	_ =	swait.ge [sflag:s11], $0x1000  }
0x13f: {  	[sflag:s11] =	ssyncset.done $0x0  }
0x140: {  	[sflag:s11] =	ssyncadd.s32 $0xFFFFF000  }
0x141: {  	_ =	swait.ge [sflag:s11], $0x1000  }
0x142: {  	[sflag:s11] =	ssyncset.done $0x0  }
0x143: {  	[sflag:s11] =	ssyncadd.s32 $0xFFFFF000  }
0x144: {  	_ =	swait.ge [sflag:s11], $0x1000  }
0x145: {  	[sflag:s11] =	ssyncset.done $0x0  }
0x146: {  	[sflag:s11] =	ssyncadd.s32 $0xFFFFF000  }
0x147: {  	s7 =	sand.u32 $0x1, s31;
	_ =	swait.ge [sflag:s11], $0x1000  }
0x148: {  	s24 =	sshll.u32 s7, $0xD;
	[sflag:s11] =	ssyncset.done $0x0  }
0x149: {  	s9 =	sor.u32 $0xCD00, s24;
	[sflag:s11] =	ssyncadd.s32 $0xFFFFF000  }
0x14a: {  	[tilespmem:s9], [sflag:$0x6] =	stream.linear.gather [spmem:s8], $0x2000, $0x200038;
	[tilespmem:$0x10D00] =	vst v63  }
0x14b: {  	_ =	swait.ge [sflag:s21], $0x2000  }
0x14c: {  	[sflag:s21] =	ssyncset.done $0x0  }
0x14d: {  	p2 =	seq.s32 s29, $0x1;
	[sflag:s21] =	ssyncadd.s32 $0xFFFFE000  }
0x14e: {  	s5 =	sadd.s32 s6, s5;
	p1 =	por p2, p1;
	_ =	strace $0x9000004B  }
0x14f: {  	s5 =	sshll.u32 @p1 s5, $0xA;
	_ =	strace @p1 $0x8000004C  }
0x150: {  	p2 =	seq.s32 s29, $0x64;
	s5 =	sand.u32 @p1 $0xFFFFC00, s5;
	s10 =	rddreg [dreg:$0x5]  }
0x151: {  	s7 =	sor.u32 @p1 $0x4, s7;
	s5 =	sadd.s32 @p1 s10, s5;
	s10 =	simm.s32 @p1 $0x0  }
0x152: {  	[hbm4b:s5+s10] =	stream.linear.scatter @p1 [tilespmem:s9], [sflag:s7], $0x2000, $0x200038;
	[tilespmem:$0x10D00] =	vst v63  }
0x153: {  	s5 =	sand.u32 @!p2 $0x1, s30;
	_ =	strace @p1 $0x9000004C  }
0x154: {  	s5 =	sor.u32 @!p2 $0x4, s5;
	_ =	strace @!p2 $0x8000004D  }
0x155: {  	s7 =	simm.s32 $0x1;
	_ =	swait.ge @!p2 [sflag:s5], $0x2000  }
0x156: {  	s7 =	simm.s32 @!p0 $0x0;
	p0 =	sne.s32 s29, $0x64;
	[sflag:s5] =	ssyncset.done @!p2 $0x0  }
0x157: {  	s29 =	sadd.s32 $0xFFFFFFFF, s29;
	[sflag:s5] =	ssyncadd.s32 @!p2 $0xFFFFE000;
	s5 =	simm.s32 $0x1  }
0x158: {  	s5 =	simm.s32 @!p0 $0x0;
	p0 =	sne.s32 s29, $0x0  }
.Ltmp1:
0x159: {  	_ = 	snop;
	(pc) =	sbr.rel @p0 .LBB2_4-.Ltmp1, $4  }
0x15a: {  	s28 =	sadd.s32 s7, s28;
	s7 =	simm.s32 $0x1  }
0x15b: {  	s7 =	simm.s32 @!p1 $0x0  }
0x15c: {  	s31 =	sadd.s32 s7, s31  }
0x15d: {  	s0 =	sadd.s32 s7, s0;
	_ =	strace @!p2 $0x9000004D;
	s30 =	sadd.s32 s5, s30  }
0x15e: {  	_ =	strace $0x8000004E;
	s0 =	simm.s32 $0x5  }
0x15f: {  	_ =	swait.ge [sflag:s0], $0x2000  }
0x160: {  	s25 =	sadd.s32 $0x1, s25;
	s31 =	rddreg [dreg:$0xe]  }
0x161: {  	p0 =	sne.s32 s25, s31  }
.Ltmp2:
0x162: {  	_ = 	snop;
	(pc) =	sbr.rel @p0 .LBB2_1-.Ltmp2, $4  }
0x163: {  	_ = 	snop  }
0x164: {  	[sflag:s0] =	ssyncset.done $0x0  }
0x165: {  	[sflag:s0] =	ssyncadd.s32 $0xFFFFE000  }
0x166: {  	_ =	strace $0x9000004E  }
0x167: {  	_ =	sfence.sel $0x180000  }
0x168: {  	[bflag:$0x0] =	sbarrier.arrive $0xFFFF  }
0x169: {  	_ =	strace $0x90000047  }
0x16a: {  	s0 =	stileid.u32;
	[bflag:$0x2] =	sbarrier.arrive $0xFFFF  }
0x16b: {  	p0 =	sne.s32 s0, $0x0;
	s0 =	rddreg [dreg:$0x4]  }
0x16c: {  	s0 =	sadd.s32 @!p0 $0x100000, s0  }
0x16d: {  	[sflag:s0] =	ssyncadd.tile.s32 @!p0 $0x1;
	_ =	shalt  }
.Lfunc_end2:
_tile_overlayer_lowered:
.L_overlay_start_2:
0x16e: {  	(tag) =	ssettag $0x2  }
0x16f: {  	s0 =	rddreg [dreg:$0x0];
	s2 =	stileid.u32  }
0x170: {  	s1 =	rddreg [dreg:$0x1];
	p0 =	sne.s32 s2, $0x0  }
0x171: {  	s3 =	rddreg [dreg:$0x2];
	[bflag:$0x3] =	sbarrier.arrive $0xFFFF;
	s2 =	simm.s32 @!p0 $0x1C02  }
0x172: {  	[timem:s3], [sflag:s2] =	dma.local @!p0 [hbm:s0], s1  }
0x173: {  	s0 =	simm.s32 @!p0 $0x2  }
0x174: {  	_ =	swait.ge @!p0 [sflag:s0], s1  }
0x175: {  	s1 =	ssub.s32 @!p0 $0x0, s1;
	[sflag:s0] =	ssyncset.done @!p0 $0x0  }
0x176: {  	[sflag:s0] =	ssyncadd.s32 @!p0 s1  }
0x177: {  	[bflag:$0x3] =	sbarrier.arrive $0xFFFF  }
0x178: {  	_ =	shalt  }

// kernel: sparse-core-data-format-call.cloned.1.call-start
scs
called_computation_lowered:
.L_overlay_start_0:
0x0: {  	s2 =	sld [smem:$0x3FD9]  }
0x1: {  	s3 =	sld [smem:$0x3FFE];
	_ =	sdelay $0x1  }
0x2: {  	s1 =	srdreg.scid  }
0x3: {  	s0 =	sand.u32 $0x1, s1  }
0x4: {  	s18 =	sshll.u32 s0, $0xA;
	s2 =	sadd.s32 s3, s2  }
0x5: {  	s2 =	sadd.s32 s2, s18  }
0x6: {  	[smem:$0x3FC2] =	sst s2  }
0x7: {  	_ = 	snop  }
0x8: {  	s2 =	sld [smem:$0x3FD0];
	(tm) =	ssettm $0x1  }
0x9: {  	s19 =	sld [smem:$0x3FFB];
	_ =	sdelay $0x3  }
0xa: {  	_ =	strace s19  }
0xb: {  	s3 =	sld [smem:$0x3FFC];
	_ =	sdelay $0x3  }
0xc: {  	_ =	strace s3  }
0xd: {  	s3 =	sld [smem:$0x3FFD];
	_ =	sdelay $0x3  }
0xe: {  	_ =	strace s3  }
0xf: {  	_ =	strace $0x8FFFFFFF  }
0x10: {  	s20 =	sld [smem:$0x3FDB];
	_ =	sdelay $0x1  }
0x11: {  	s4 =	simm.s32 $_scs_section_size  }
0x12: {  	s5 =	simm.s32 $_size__tile_overlayer_lowered;
	s6 =	simm.s32 $_tile_overlayer_lowered  }
0x13: {  	s23 =	simm.s32 $0x1BFF;
	s22 =	sshll.u32 s6, $0x1;
	s3 =	sadd.s32 s4, s20  }
0x14: {  	s7 =	simm.s32 $0x0;
	s21 =	sshll.u32 s5, $0x1;
	s5 =	sadd.s32 s22, s3  }
0x15: {  	[timem:s7], [sflag:s23] =	dma.local [hbm:s5], s21  }
0x16: {  	_ =	swait.ge [sflag:s23], s21  }
0x17: {  	s4 =	ssub.s32 $0x0, s21;
	[sflag:s23] =	ssyncset.done $0x0  }
0x18: {  	[sflag:s23] =	ssyncadd.s32 s4;
	_ =	sdelay $0x1  }
0x19: {  	s24 =	simm.s32 $0x1B8B  }
0x1a: {  	_ =	swait.ge [sflag:s24], $0x1  }
0x1b: {  	[sflag:s24] =	ssyncset.done $0x0  }
0x1c: {  	s26 =	simm.s32 $0x1B8E;
	s25 =	sld [smem:$0x3FFE];
	[sflag:s24] =	ssyncadd.s32 $0xFFFFFFFF  }
0x1d: {  	s27 =	simm.s32 $execute0_lowered;
	[smem:$0x3FD2] =	sst s26  }
0x1e: {  	s5 =	sshll.u32 s27, $0x1;
	_ =	strace $0x80000050;
	[dreg:$0x1] =	wrdreg $0xFFFFFFFF  }
0x1f: {  	s28 =	simm.s32 $_size_execute0_lowered;
	s3 =	sadd.s32 s3, s5;
	[dreg:$0x0] =	wrdreg $0x0  }
0x20: {  	s5 =	sshll.u32 s28, $0x1;
	[dreg:$0x2] =	wrdreg s3  }
0x21: {  	[dreg:$0x3] =	wrdreg s5  }
0x22: {  	[dreg:$0x4] =	wrdreg $0xC0  }
0x23: {  	_ =	task [dreg:s7], $0x5FFFF  }
0x24: {  	[dreg:$0x1] =	wrdreg $0xFFFFFFFF  }
0x25: {  	[dreg:$0x0] =	wrdreg $0x60  }
0x26: {  	[dreg:$0x2] =	wrdreg s25  }
0x27: {  	[dreg:$0x3] =	wrdreg s2  }
0x28: {  	[dreg:$0x4] =	wrdreg $0x9  }
0x29: {  	_ =	task.clear_ibuf [dreg:s7], $0x5FFFF;
	_ =	strace $0x90000050  }
0x2a: {  	s29 =	simm.s32 $0x9;
	_ =	strace $0x80000052  }
0x2b: {  	_ =	swait.ge [sflag:s29], $0x1  }
0x2c: {  	[sflag:s29] =	ssyncadd.s32 $0xFFFFFFFF  }
0x2d: {  	_ =	strace $0x90000052  }
0x2e: {  	_ =	sfence  }
0x2f: {  	s30 =	sld [smem:$0x0];
	_ =	sdelay $0x2  }
0x30: {  	s31 =	sshll.u32 s1, $0xD;
	s1 =	sshrl.u32 s1, $0x2  }
0x31: {  	s3 =	sand.u32 $0x4000, s31;
	s1 =	sadd.s32 s1, s30  }
0x32: {  	s0 =	sor.u32 s3, s0;
	s1 =	sshll.u32 s1, $0x11  }
0x33: {  	s0 =	sor.u32 s1, s0  }
0x34: {  	s0 =	sadd.s32 $0x8F2B, s0  }
0x35: {  	[sflag:s0] =	ssyncadd.remote.s32 $0x1  }
0x36: {  	_ =	sfence.sel $0xFFFF  }
0x37: {  	[dreg:$0x0] =	wrdreg $0xFFFFFFFF;
	(pc) =	sbr.abs _section_cstart, $3  }
0x38: {  	[dreg:$0x1] =	wrdreg $0xFFFFFFFF  }
0x39: {  	_ =	task.clear_ibuf [dreg:s7], $0x2FFFF;
	_ =	strace $0x9FFFFFFF  }
0x3a: {  	(tm) =	ssettm $0x7FFFFFFF  }
0x3b: {  	_ =	shalt  }
tec
execute0_lowered:
.L_overlay_start_1:
0x0: {  	(tag) =	ssettag $0x1  }
0x1: {  	s0 =	srdreg.scid  }
0x2: {  	s1 =	sshll.u32 s0, $0x4  }
0x3: {  	s5 =	rddreg [dreg:$0x0];
	s0 =	stileid.u32;
	s1 =	sand.u32 $0x10, s1  }
0x4: {  	s3 =	rddreg [dreg:$0x1];
	s31 =	simm.s32 $0x2;
	s4 =	sor.u32 s0, s1  }
0x5: {  	s13 =	simm.s32 $0x0;
	s9 =	simm.s32 $0x400;
	s2 =	sshll.u32 s4, $0x7  }
0x6: {  	s10 =	simm.s32 $0x8000;
	s14 =	simm.s32 $0x0;
	s6 =	ssub.s32 $0x1000, s2  }
0x7: {  	s1 =	rddreg [dreg:$0x2];
	_ =	strace $0x80000051;
	s7 =	sand.u32 $0xF80, s6  }
0x8: {  	s4 =	sshll.u32 s4, $0xB;
	p0 =	sne.s32 s7, $0x0;
	s7 =	simm.s32 $0x1  }
.Ltmp0:
0x9: {  	s6 =	sshrl.u32 s6, $0xC;
	s7 =	simm.s32 @!p0 $0x0;
	(pc) =	sbr.rel .LBB1_1-.Ltmp0, $4  }
0xa: {  	s8 =	sadd.s32 s4, s5;
	s4 =	simm.s32 $0x1;
	s30 =	sadd.s32 s7, s6  }
0xb: {  	s11 =	simm.s32 $0x0;
	[sflag:s4] =	ssyncpa.u1 $0x0;
	s5 =	smul.u32 $0x64, s30  }
0xc: {  	s12 =	simm.s32 $0x0;
	[sflag:s31] =	ssyncpa.u1 $0x0;
	p0 =	por $0x0, $0x0  }
0xd: {  	s6 =	sadd.s32 $0x1400, s8;
	s7 =	sadd.s32 $0x11400, s8;
	s8 =	sor.u32 $0x1, s5  }
.LBB1_7:
0xe: {  	s15 =	sadd.s32 $0x2, s11  }
0xf: {  	p2 =	sgt.s32 s15, $0xC7  }
0x10: {  	s15 =	simm.s32 @p2 $0x0;
	p2 =	sne.s32 s12, s8  }
.Ltmp1:
0x11: {  	p1 =	slt.u32 s12, $0x2;
	(pc) =	sbr.rel @!p2 .LBB1_8-.Ltmp1, $4  }
0x12: {  	s13 =	simm.s32 @!p1 $0x2  }
0x13: {  	s16 =	sadd.s32 $0x1, s12;
	s14 =	smov.u32 s11;
	_ =	swait.ge @!p1 [sflag:s13], $0x4000  }
0x14: {  	p0 =	por !p0, !p0;
	s12 =	smov.u32 s16;
	[sflag:s13] =	ssyncset.done @!p1 $0x0  }
0x15: {  	s11 =	smov.u32 s15;
	[sflag:s13] =	ssyncadd.s32 @!p1 $0xFFFFC000;
	s13 =	smov.u32 s2  }
.LBB1_1:
0x16: {  	p1 =	sge.u32 s12, s5  }
0x17: {  	s15 =	sxor.u32 @!p1 $0xFFFFFFFF, s12  }
0x18: {  	s16 =	sshll.u32 @!p1 s11, $0x10;
	s18 =	simm.s32 @!p1 $0x40;
	s15 =	sshll.u32 @!p1 s15, $0xE  }
0x19: {  	s19 =	simm.s32 @!p1 $0x80;
	s17 =	sadd.s32 @!p1 s16, s6;
	s15 =	sand.u32 @!p1 $0x4000, s15  }
0x1a: {  	[tilespmem:s15], [sflag:$0x1] =	stream.strided.gather @!p1 [hbm4b:s17+s18], $0x2000, s19, s18, $0x38;
	[tilespmem:$0x10100] =	vst v63  }
0x1b: {  	s31 =	sadd.s32 $0xFFFFFFFF, s12;
	s16 =	sadd.s32 @!p1 s16, s7;
	s15 =	sor.u32 @!p1 $0x2000, s15  }
0x1c: {  	[tilespmem:s15], [sflag:$0x1] =	stream.strided.gather @!p1 [hbm4b:s16+s18], $0x2000, s19, s18, $0x38;
	[tilespmem:$0x10100] =	vst v63  }
0x1d: {  	p1 =	sge.u32 s31, s5  }
.Ltmp2:
0x1e: {  	_ = 	snop;
	(pc) =	sbr.rel @p1 .LBB1_7-.Ltmp2, $1  }
0x1f: {  	_ =	sdelay $0x3  }
0x20: {  	s15 =	simm.s32 $0x1;
	s17 =	sand.u32 $0x1, s12  }
0x21: {  	_ =	swait.ge [sflag:s4], $0x4000;
	s15 =	simm.s32 @!p0 $0x0;
	s17 =	smul.u32 $0x10200, s17  }
0x22: {  	p2 =	por $0x1, $0x1;
	[sflag:s4] =	ssyncset.done $0x0;
	s16 =	smul.u32 $0x10200, s15  }
0x23: {  	s18 =	sshll.u32 s15, $0x10;
	[sflag:s4] =	ssyncadd.s32 $0xFFFFC000;
	s30 =	sshrl.u32 s17, $0x2  }
0x24: {  	s31 =	sshrl.u32 s18, $0x2;
	s18 =	simm.s32 $0x0;
	s16 =	sshrl.u32 s16, $0x2  }
0x25: {  	s15 =	sor.u32 $0x8000, s30;
	s17 =	sadd.s32 $0x20, s31;
	s16 =	sor.u32 $0x8000, s16  }
.LBB1_3:
0x26: {  	s19 =	sshll.u32 s18, $0xD  }
0x27: {  	s19 =	sand.u32 $0x3FFFE000, s19  }
0x28: {  	s21 =	sadd.s32 s19, s17  }
0x29: {  	s31 =	smul.u32 $0x8100, s18;
	v3 =	vld [tilespmem:s21+$0x10]  }
0x2a: {  	v1 =	vld [tilespmem:s21+$0xFFFFFFF0]  }
0x2b: {  	s18 =	sshra.s32 s31, $0x2;
	v0 =	vld [tilespmem:s21+$0x0]  }
0x2c: {  	s18 =	sadd.s32 s18, s16;
	v2 =	vld [tilespmem:s21+$0xFFFFFFE0]  }
0x2d: {  	s19 =	sadd.s32 $0x0, s18  }
0x2e: {  	p1 =	por p2, p2;
	s20 =	simm.s32 $0x4;
	s21 =	sadd.s32 $0x40, s21;
	[tilespmem:s19+$0x1830 ss:$0x81] =	vst.msk $0xffff, v3  }
.LBB1_4:
0x2f: {  	v3 =	vld [tilespmem:s21+$0x10];
	p2 =	sne.s32 s20, $0x1FC;
	[tilespmem:s19+$0x810 ss:$0x81] =	vst.msk $0xffff, v1;
	s22 =	smov.u32 s20;
	s20 =	sadd.s32 $0x4, s20  }
.Ltmp3:
0x30: {  	v1 =	vld [tilespmem:s21+$0xFFFFFFF0];
	[tilespmem:s19+$0x1020 ss:$0x81] =	vst.msk $0xffff, v0;
	(pc) =	sbr.rel @p2 .LBB1_4-.Ltmp3, $4  }
0x31: {  	v0 =	vld [tilespmem:s21+$0x0];
	[tilespmem:s19+$0x0 ss:$0x81] =	vst.msk $0xffff, v2  }
0x32: {  	s19 =	sshra.s32 s22, $0x2;
	v2 =	vld [tilespmem:s21+$0xFFFFFFE0]  }
0x33: {  	s19 =	sadd.s32 s19, s18  }
0x34: {  	s21 =	sadd.s32 $0x40, s21;
	[tilespmem:s19+$0x1830 ss:$0x81] =	vst.msk $0xffff, v3  }
.Ltmp4:
0x35: {  	(pc) =	sbr.rel @p1 .LBB1_3-.Ltmp4, $4  }
0x36: {  	_ = 	snop  }
0x37: {  	[tilespmem:s19+$0x810 ss:$0x81] =	vst.msk $0xffff, v1  }
0x38: {  	[tilespmem:s19+$0x1020 ss:$0x81] =	vst.msk $0xffff, v0  }
0x39: {  	s18 =	simm.s32 $0x1;
	p2 =	por $0x0, $0x0;
	[tilespmem:s19+$0x0 ss:$0x81] =	vst.msk $0xffff, v2  }
.Ltmp5:
0x3a: {  	(pc) =	sbr.rel .LBB1_7-.Ltmp5, $4  }
0x3b: {  	s14 =	sshll.u32 s14, $0xF  }
0x3c: {  	s14 =	sadd.s32 s3, s14  }
0x3d: {  	s13 =	sadd.s32 s13, s14  }
0x3e: {  	[hbm4b:s13+s9] =	stream.strided.scatter [tilespmem:s15], [sflag:$0x2], $0x4000, s10, s9, $0x20;
	[tilespmem:$0x10100] =	vst v63  }
.LBB1_8:
0x3f: {  	_ =	sfence.sel $0x180000  }
0x40: {  	s2 =	simm.s32 $0x1;
	[bflag:$0x0] =	sbarrier.arrive $0xFFFF  }
0x41: {  	s31 =	simm.s32 $0x2;
	[sflag:s2] =	ssyncpa.u1 $0x1  }
0x42: {  	[sflag:s31] =	ssyncpa.u1 $0x1  }
0x43: {  	p0 =	sne.s32 s0, $0x0;
	_ =	strace $0x90000051  }
0x44: {  	s0 =	sadd.s32 @!p0 $0x100000, s1;
	[bflag:$0x2] =	sbarrier.arrive $0xFFFF  }
0x45: {  	[sflag:s0] =	ssyncadd.tile.s32 @!p0 $0x1;
	_ =	shalt  }
.Lfunc_end1:
_tile_overlayer_lowered:
.L_overlay_start_2:
0x46: {  	(tag) =	ssettag $0x2  }
0x47: {  	s0 =	rddreg [dreg:$0x0];
	s2 =	stileid.u32  }
0x48: {  	s1 =	rddreg [dreg:$0x1];
	p0 =	sne.s32 s2, $0x0  }
0x49: {  	s3 =	rddreg [dreg:$0x2];
	[bflag:$0x3] =	sbarrier.arrive $0xFFFF;
	s2 =	simm.s32 @!p0 $0x1C01  }
0x4a: {  	[timem:s3], [sflag:s2] =	dma.local @!p0 [hbm:s0], s1  }
0x4b: {  	s0 =	simm.s32 @!p0 $0x1  }
0x4c: {  	_ =	swait.ge @!p0 [sflag:s0], s1  }
0x4d: {  	s1 =	ssub.s32 @!p0 $0x0, s1;
	[sflag:s0] =	ssyncset.done @!p0 $0x0  }
0x4e: {  	[sflag:s0] =	ssyncadd.s32 @!p0 s1  }
0x4f: {  	[bflag:$0x3] =	sbarrier.arrive $0xFFFF  }
0x50: {  	_ =	shalt  }

</sc_bundles>
